<compile_context>
chip_gen: v7x
topology: tpu7x:2x2x1
jax: 0.10.2.dev20260603
libtpu: 0.0.44.dev20260713+nightly
codegen_flags: <defaults>
</compile_context>

<pallas_src>
import functools

import jax
import jax.numpy as jnp
from jax import lax
from jax.experimental import pallas as pl
from jax.experimental.pallas import tpu as pltpu
from jax.experimental.pallas import tpu_sc as plsc

B = 4096
T = 200
D = 32
L_OUT = 25
NF = 8
NC = 2
NS = 16
NW = NC * NS
B_PER_W = B // NW
INV16 = 1.0 / 16.0
G0, G1 = 104, 96


def _sc_body(xs, xp, st, pt, out, idxs, idxp, rows_s, rows_p, cbuf,
             sem_g, sem_o):
    wid = lax.axis_index("s") * NC + lax.axis_index("c")
    b0 = wid * B_PER_W
    iota = lax.iota(jnp.int32, 16)
    d25_lo = iota * L_OUT
    d25_hi = (iota + 16) * L_OUT
    zero = jnp.zeros((16,), jnp.float32)

    pltpu.sync_copy(xs.at[pl.ds(b0 * T, B_PER_W * T)], idxs)
    pltpu.sync_copy(xp.at[pl.ds(b0 * T, B_PER_W * T)], idxp)

    def gather_copies(i, sl):
        return [
            pltpu.make_async_copy(st.at[idxs.at[pl.ds(i * T, G0)]],
                                  rows_s.at[sl, pl.ds(0, G0)], sem_g),
            pltpu.make_async_copy(st.at[idxs.at[pl.ds(i * T + G0, G1)]],
                                  rows_s.at[sl, pl.ds(G0, G1)], sem_g),
            pltpu.make_async_copy(pt.at[idxp.at[pl.ds(i * T, G0)]],
                                  rows_p.at[sl, pl.ds(0, G0)], sem_g),
            pltpu.make_async_copy(pt.at[idxp.at[pl.ds(i * T + G0, G1)]],
                                  rows_p.at[sl, pl.ds(G0, G1)], sem_g),
        ]

    def out_copies(i, sl):
        dst = out.at[pl.ds((b0 + i) * (D * L_OUT), D * L_OUT)]
        return [pltpu.make_async_copy(cbuf.at[sl], dst, sem_o)]

    for cp in gather_copies(0, 0):
        cp.start()

    def per_i(i, carry):
        sl = i & 1
        for cp in gather_copies(i, sl):
            cp.wait()

        @pl.when(i < B_PER_W - 1)
        def _():
            for cp in gather_copies(i + 1, 1 - sl):
                cp.start()

        @pl.when(i >= 2)
        def _():
            for cp in out_copies(i - 2, sl):
                cp.wait()

        def per_k(k, pc):
            p0, p1 = pc
            t0 = 8 * k
            s0 = zero
            s1 = zero
            for j in range(8):
                s0 = s0 + rows_s[sl, t0 + j, 0:16] + rows_p[sl, t0 + j, 0:16]
                s1 = s1 + rows_s[sl, t0 + j, 16:32] + rows_p[sl, t0 + j, 16:32]

            @pl.when(k > 0)
            def _():
                lv = jnp.broadcast_to(k - 1, (16,))
                plsc.store_scatter(cbuf.at[sl], [d25_lo + lv],
                                   (p0 + s0) * INV16)
                plsc.store_scatter(cbuf.at[sl], [d25_hi + lv],
                                   (p1 + s1) * INV16)

            return (s0, s1)

        p0, p1 = lax.fori_loop(0, 25, per_k, (zero, zero))
        e0 = (rows_s[sl, 199, 0:16] + rows_p[sl, 199, 0:16]) * 8.0
        e1 = (rows_s[sl, 199, 16:32] + rows_p[sl, 199, 16:32]) * 8.0
        plsc.store_scatter(cbuf.at[sl], [d25_lo + 24], (p0 + e0) * INV16)
        plsc.store_scatter(cbuf.at[sl], [d25_hi + 24], (p1 + e1) * INV16)

        for cp in out_copies(i, sl):
            cp.start()
        return carry

    lax.fori_loop(0, B_PER_W, per_i, 0)

    for cp in out_copies(B_PER_W - 2, (B_PER_W - 2) & 1):
        cp.wait()
    for cp in out_copies(B_PER_W - 1, (B_PER_W - 1) & 1):
        cp.wait()


_sc_kernel = functools.partial(
    pl.kernel,
    mesh=plsc.VectorSubcoreMesh(core_axis_name="c", subcore_axis_name="s"),
    compiler_params=pltpu.CompilerParams(
        needs_layout_passes=False, use_tc_tiling_on_sc=False),
    out_type=jax.ShapeDtypeStruct((B * D * L_OUT,), jnp.float32),
    scratch_types=[
        pltpu.VMEM((B_PER_W * T,), jnp.int32),
        pltpu.VMEM((B_PER_W * T,), jnp.int32),
        pltpu.VMEM((2, T, D), jnp.float32),
        pltpu.VMEM((2, T, D), jnp.float32),
        pltpu.VMEM((2, D * L_OUT), jnp.float32),
        pltpu.SemaphoreType.DMA,
        pltpu.SemaphoreType.DMA,
    ],
)(_sc_body)


@jax.jit
def kernel(x_state, x_pos, state_table, pos_table):
    pooled = _sc_kernel(x_state.reshape(B * T), x_pos.reshape(B * T),
                        state_table, pos_table)
    c = pooled.reshape(B, D, L_OUT)
    rep = jnp.broadcast_to(c[:, None, :, :], (B, NF, D, L_OUT))
    return rep.reshape(B * NF, D, L_OUT)

# --- scband reference (transcript-rebuilt; emitter-appended) ---
"""Pipeline reference for scband-condition-embedding1-d-8031588843914 (READ-ONLY COPY).

The authoritative reference and input builder live on the scoring server;
editing this copy changes nothing except your own understanding.
"""

import jax, jax.numpy as jnp
import numpy as np

B = 4096
T = 200
V_STATE = 100000
V_POS = 100000
D = 32
PATCH_LEN = 16
PATCH_STRIDE = 8
NUM_FEATURES = 8
PAD_RIGHT = PATCH_LEN - PATCH_STRIDE


def setup_inputs(seed: int = 0) -> dict:
    key = jax.random.key(seed)
    k1, k2, k3, k4 = jax.random.split(key, 4)
    x_state = jax.random.randint(k1, (B, T), 0, V_STATE, dtype=jnp.int32)
    x_pos = jax.random.randint(k2, (B, T), 0, V_POS, dtype=jnp.int32)
    state_table = jax.random.normal(k3, (V_STATE, D), dtype=jnp.float32)
    pos_table = jax.random.normal(k4, (V_POS, D), dtype=jnp.float32)
    return {"x_state": x_state, "x_pos": x_pos, "state_table": state_table, "pos_table": pos_table}


def reference(x_state, x_pos, state_table, pos_table):
    # embedding lookups (gathers)
    e_state = jnp.take(state_table, x_state, axis=0)  # [B, T, D]
    e_pos = jnp.take(pos_table, x_pos, axis=0)        # [B, T, D]
    e = e_state + e_pos
    # [B, D, T]
    e = jnp.transpose(e, (0, 2, 1))
    # replicate (edge) pad on the right of the time axis
    e = jnp.pad(e, ((0, 0), (0, 0), (0, PAD_RIGHT)), mode='edge')
    L_pad = T + PAD_RIGHT
    L_out = (L_pad - PATCH_LEN) // PATCH_STRIDE + 1
    # AvgPool1d(kernel=PATCH_LEN, stride=PATCH_STRIDE)
    idx = jnp.arange(L_out)[:, None] * PATCH_STRIDE + jnp.arange(PATCH_LEN)[None, :]  # [L_out, PATCH_LEN]
    windows = e[:, :, idx]            # [B, D, L_out, PATCH_LEN]
    c = jnp.mean(windows, axis=-1)    # [B, D, L_out]
    # expand along feature axis and fold into batch
    c = jnp.broadcast_to(c[:, None, :, :], (B, NUM_FEATURES, D, L_out))
    c = c.reshape(B * NUM_FEATURES, D, L_out)
    return c

if __name__ == "__main__":
    import jax
    _d = setup_inputs()
    print(jax.jit(kernel)(*tuple(_d.values())))

</pallas_src>

<mosaic_0001>
#map = affine_map<(d0, d1) -> (0)>
#map1 = affine_map<(d0, d1) -> (0, 0)>
module attributes {stable_mosaic.version = 14 : i64} {
  func.func @_sc_body(%arg0: i32, %arg1: i32, %arg2: memref<819200xi32, #tpu.memory_space<hbm>>, %arg3: memref<819200xi32, #tpu.memory_space<hbm>>, %arg4: memref<100000x32xf32, #tpu.memory_space<hbm>>, %arg5: memref<100000x32xf32, #tpu.memory_space<hbm>>, %arg6: memref<3276800xf32, #tpu.memory_space<hbm>>, %arg7: memref<25600xi32, #tpu.memory_space<vmem>>, %arg8: memref<25600xi32, #tpu.memory_space<vmem>>, %arg9: memref<2x200x32xf32, #tpu.memory_space<vmem>>, %arg10: memref<2x200x32xf32, #tpu.memory_space<vmem>>, %arg11: memref<2x800xf32, #tpu.memory_space<vmem>>, %arg12: memref<!tpu.dma_semaphore, #tpu.memory_space<semaphore_mem>>, %arg13: memref<!tpu.dma_semaphore, #tpu.memory_space<semaphore_mem>>) attributes {dimension_semantics = [#tpu.dimension_semantics<core_parallel>, #tpu.dimension_semantics<subcore_parallel>], iteration_bounds = array<i64: 2, 16>, scalar_prefetch = 0 : i64, scratch_operands = 7 : i64, tpu.core_type = #tpu.core_type<sc_vector_subcore>, window_params = [{transform_indices = #map}, {transform_indices = #map}, {transform_indices = #map1}, {transform_indices = #map1}, {transform_indices = #map}]} {
    %mul3A = arith.constant 2 : i32
    %mul3A_0 = arith.muli %arg1, %mul3A : i32
    %add3A = arith.addi %mul3A_0, %arg0 : i32
    %mul3A_1 = arith.constant 128 : i32
    %mul3A_2 = arith.muli %add3A, %mul3A_1 : i32
    %iota3A = tpu.iota {dimensions = array<i32: 0>} : vector<16xi32>
    %mul3A_3 = arith.constant 25 : i32
    %mul3A_4 = vector.broadcast %mul3A_3 : i32 to vector<16xi32>
    %mul3A_5 = arith.muli %iota3A, %mul3A_4 : vector<16xi32>
    %add3A_6 = arith.constant 16 : i32
    %add3A_7 = vector.broadcast %add3A_6 : i32 to vector<16xi32>
    %add3A_8 = arith.addi %iota3A, %add3A_7 : vector<16xi32>
    %mul3A_9 = arith.constant 25 : i32
    %mul3A_10 = vector.broadcast %mul3A_9 : i32 to vector<16xi32>
    %mul3A_11 = arith.muli %add3A_8, %mul3A_10 : vector<16xi32>
    %broadcast_in_dim3A = arith.constant 0.000000e+00 : f32
    %broadcast_in_dim3A_12 = vector.broadcast %broadcast_in_dim3A : f32 to vector<16xf32>
    %mul3A_13 = arith.constant 200 : i32
    %mul3A_14 = arith.muli %mul3A_2, %mul3A_13 : i32
    "tpu.region"() ({
      %run_scoped3A = tpu.sem_alloc : memref<!tpu.dma_semaphore, #tpu.memory_space<semaphore_mem>>
      %dma_start3A_86 = tpu.memref_slice %arg2[%mul3A_14] : memref<819200xi32, #tpu.memory_space<hbm>> -> memref<25600xi32, #tpu.memory_space<hbm>>
      %dma_start3A_87 = tpu.memref_slice %arg2[%mul3A_14] : memref<819200xi32, #tpu.memory_space<hbm>> -> memref<25600xi32, #tpu.memory_space<hbm>>
      tpu.enqueue_dma source(%dma_start3A_87 : memref<25600xi32, #tpu.memory_space<hbm>>) target(%arg7 : memref<25600xi32, #tpu.memory_space<vmem>>) target_semaphore(%run_scoped3A : memref<!tpu.dma_semaphore, #tpu.memory_space<semaphore_mem>>)
      %dma_wait3A_88 = tpu.memref_slice %arg2[%mul3A_14] : memref<819200xi32, #tpu.memory_space<hbm>> -> memref<25600xi32, #tpu.memory_space<hbm>>
      %dma_wait3A_89 = tpu.memref_slice %arg2[%mul3A_14] : memref<819200xi32, #tpu.memory_space<hbm>> -> memref<25600xi32, #tpu.memory_space<hbm>>
      tpu.wait_dma2 semaphore(%run_scoped3A : memref<!tpu.dma_semaphore, #tpu.memory_space<semaphore_mem>>) src(%dma_wait3A_89 : memref<25600xi32, #tpu.memory_space<hbm>>) dst(%arg7 : memref<25600xi32, #tpu.memory_space<vmem>>)
      tpu.yield
    }) : () -> ()
    %mul3A_15 = arith.constant 200 : i32
    %mul3A_16 = arith.muli %mul3A_2, %mul3A_15 : i32
    "tpu.region"() ({
      %run_scoped3A = tpu.sem_alloc : memref<!tpu.dma_semaphore, #tpu.memory_space<semaphore_mem>>
      %dma_start3A_86 = tpu.memref_slice %arg3[%mul3A_16] : memref<819200xi32, #tpu.memory_space<hbm>> -> memref<25600xi32, #tpu.memory_space<hbm>>
      %dma_start3A_87 = tpu.memref_slice %arg3[%mul3A_16] : memref<819200xi32, #tpu.memory_space<hbm>> -> memref<25600xi32, #tpu.memory_space<hbm>>
      tpu.enqueue_dma source(%dma_start3A_87 : memref<25600xi32, #tpu.memory_space<hbm>>) target(%arg8 : memref<25600xi32, #tpu.memory_space<vmem>>) target_semaphore(%run_scoped3A : memref<!tpu.dma_semaphore, #tpu.memory_space<semaphore_mem>>)
      %dma_wait3A_88 = tpu.memref_slice %arg3[%mul3A_16] : memref<819200xi32, #tpu.memory_space<hbm>> -> memref<25600xi32, #tpu.memory_space<hbm>>
      %dma_wait3A_89 = tpu.memref_slice %arg3[%mul3A_16] : memref<819200xi32, #tpu.memory_space<hbm>> -> memref<25600xi32, #tpu.memory_space<hbm>>
      tpu.wait_dma2 semaphore(%run_scoped3A : memref<!tpu.dma_semaphore, #tpu.memory_space<semaphore_mem>>) src(%dma_wait3A_89 : memref<25600xi32, #tpu.memory_space<hbm>>) dst(%arg8 : memref<25600xi32, #tpu.memory_space<vmem>>)
      tpu.yield
    }) : () -> ()
    %dma_start3A = arith.constant 0 : i32
    %dma_start3A_17 = arith.constant 0 : i32
    %dma_start3A_18 = arith.constant 0 : i32
    %dma_start3A_19 = tpu.memref_slice %arg9[%dma_start3A, %dma_start3A_17, %dma_start3A_18] : memref<2x200x32xf32, #tpu.memory_space<vmem>> -> memref<1x104x32xf32, #tpu.memory_space<vmem>>
    %dma_start3A_20 = tpu.memref_squeeze %dma_start3A_19 : memref<1x104x32xf32, #tpu.memory_space<vmem>> -> memref<104x32xf32, #tpu.memory_space<vmem>>
    %dma_start3A_21 = arith.constant 0 : i32
    %dma_start3A_22 = tpu.memref_slice %arg7[%dma_start3A_21] : memref<25600xi32, #tpu.memory_space<vmem>> -> memref<104xi32, #tpu.memory_space<vmem>>
    %dma_start3A_23 = arith.constant 0 : i32
    %dma_start3A_24 = arith.constant 0 : i32
    %dma_start3A_25 = tpu.memref_slice %arg4[%dma_start3A_23, %dma_start3A_24] : memref<100000x32xf32, #tpu.memory_space<hbm>> -> memref<100000x32xf32, #tpu.memory_space<hbm>>
    tpu.enqueue_indirect_dma source(%dma_start3A_25 : memref<100000x32xf32, #tpu.memory_space<hbm>>) target(%dma_start3A_20 : memref<104x32xf32, #tpu.memory_space<vmem>>) offsets(%dma_start3A_22 : memref<104xi32, #tpu.memory_space<vmem>>) semaphore(%arg12 : memref<!tpu.dma_semaphore, #tpu.memory_space<semaphore_mem>>)
    %dma_start3A_26 = arith.constant 0 : i32
    %dma_start3A_27 = arith.constant 104 : i32
    %dma_start3A_28 = arith.constant 0 : i32
    %dma_start3A_29 = tpu.memref_slice %arg9[%dma_start3A_26, %dma_start3A_27, %dma_start3A_28] : memref<2x200x32xf32, #tpu.memory_space<vmem>> -> memref<1x96x32xf32, #tpu.memory_space<vmem>>
    %dma_start3A_30 = tpu.memref_squeeze %dma_start3A_29 : memref<1x96x32xf32, #tpu.memory_space<vmem>> -> memref<96x32xf32, #tpu.memory_space<vmem>>
    %dma_start3A_31 = arith.constant 104 : i32
    %dma_start3A_32 = tpu.memref_slice %arg7[%dma_start3A_31] : memref<25600xi32, #tpu.memory_space<vmem>> -> memref<96xi32, #tpu.memory_space<vmem>>
    %dma_start3A_33 = arith.constant 0 : i32
    %dma_start3A_34 = arith.constant 0 : i32
    %dma_start3A_35 = tpu.memref_slice %arg4[%dma_start3A_33, %dma_start3A_34] : memref<100000x32xf32, #tpu.memory_space<hbm>> -> memref<100000x32xf32, #tpu.memory_space<hbm>>
    tpu.enqueue_indirect_dma source(%dma_start3A_35 : memref<100000x32xf32, #tpu.memory_space<hbm>>) target(%dma_start3A_30 : memref<96x32xf32, #tpu.memory_space<vmem>>) offsets(%dma_start3A_32 : memref<96xi32, #tpu.memory_space<vmem>>) semaphore(%arg12 : memref<!tpu.dma_semaphore, #tpu.memory_space<semaphore_mem>>)
    %dma_start3A_36 = arith.constant 0 : i32
    %dma_start3A_37 = arith.constant 0 : i32
    %dma_start3A_38 = arith.constant 0 : i32
    %dma_start3A_39 = tpu.memref_slice %arg10[%dma_start3A_36, %dma_start3A_37, %dma_start3A_38] : memref<2x200x32xf32, #tpu.memory_space<vmem>> -> memref<1x104x32xf32, #tpu.memory_space<vmem>>
    %dma_start3A_40 = tpu.memref_squeeze %dma_start3A_39 : memref<1x104x32xf32, #tpu.memory_space<vmem>> -> memref<104x32xf32, #tpu.memory_space<vmem>>
    %dma_start3A_41 = arith.constant 0 : i32
    %dma_start3A_42 = tpu.memref_slice %arg8[%dma_start3A_41] : memref<25600xi32, #tpu.memory_space<vmem>> -> memref<104xi32, #tpu.memory_space<vmem>>
    %dma_start3A_43 = arith.constant 0 : i32
    %dma_start3A_44 = arith.constant 0 : i32
    %dma_start3A_45 = tpu.memref_slice %arg5[%dma_start3A_43, %dma_start3A_44] : memref<100000x32xf32, #tpu.memory_space<hbm>> -> memref<100000x32xf32, #tpu.memory_space<hbm>>
    tpu.enqueue_indirect_dma source(%dma_start3A_45 : memref<100000x32xf32, #tpu.memory_space<hbm>>) target(%dma_start3A_40 : memref<104x32xf32, #tpu.memory_space<vmem>>) offsets(%dma_start3A_42 : memref<104xi32, #tpu.memory_space<vmem>>) semaphore(%arg12 : memref<!tpu.dma_semaphore, #tpu.memory_space<semaphore_mem>>)
    %dma_start3A_46 = arith.constant 0 : i32
    %dma_start3A_47 = arith.constant 104 : i32
    %dma_start3A_48 = arith.constant 0 : i32
    %dma_start3A_49 = tpu.memref_slice %arg10[%dma_start3A_46, %dma_start3A_47, %dma_start3A_48] : memref<2x200x32xf32, #tpu.memory_space<vmem>> -> memref<1x96x32xf32, #tpu.memory_space<vmem>>
    %dma_start3A_50 = tpu.memref_squeeze %dma_start3A_49 : memref<1x96x32xf32, #tpu.memory_space<vmem>> -> memref<96x32xf32, #tpu.memory_space<vmem>>
    %dma_start3A_51 = arith.constant 104 : i32
    %dma_start3A_52 = tpu.memref_slice %arg8[%dma_start3A_51] : memref<25600xi32, #tpu.memory_space<vmem>> -> memref<96xi32, #tpu.memory_space<vmem>>
    %dma_start3A_53 = arith.constant 0 : i32
    %dma_start3A_54 = arith.constant 0 : i32
    %dma_start3A_55 = tpu.memref_slice %arg5[%dma_start3A_53, %dma_start3A_54] : memref<100000x32xf32, #tpu.memory_space<hbm>> -> memref<100000x32xf32, #tpu.memory_space<hbm>>
    tpu.enqueue_indirect_dma source(%dma_start3A_55 : memref<100000x32xf32, #tpu.memory_space<hbm>>) target(%dma_start3A_50 : memref<96x32xf32, #tpu.memory_space<vmem>>) offsets(%dma_start3A_52 : memref<96xi32, #tpu.memory_space<vmem>>) semaphore(%arg12 : memref<!tpu.dma_semaphore, #tpu.memory_space<semaphore_mem>>)
    %scan3A = arith.constant 0 : i32
    %scan3A_56 = arith.constant 0 : i32
    %scan3A_57 = arith.constant 128 : i32
    %scan3A_58 = arith.addi %scan3A_56, %scan3A_57 : i32
    %scan3A_59 = arith.constant 1 : i32
    scf.for %scan3A_86 = %scan3A_56 to %scan3A_58 step %scan3A_59  : i32 {
      %and3A = arith.constant 1 : i32
      %and3A_87 = arith.andi %scan3A_86, %and3A : i32
      %mul3A_88 = arith.constant 200 : i32
      %mul3A_89 = arith.muli %scan3A_86, %mul3A_88 : i32
      %mul3A_90 = arith.constant 200 : i32
      %mul3A_91 = arith.muli %scan3A_86, %mul3A_90 : i32
      %add3A_92 = arith.constant 104 : i32
      %add3A_93 = arith.addi %mul3A_91, %add3A_92 : i32
      %mul3A_94 = arith.constant 200 : i32
      %mul3A_95 = arith.muli %scan3A_86, %mul3A_94 : i32
      %mul3A_96 = arith.constant 200 : i32
      %mul3A_97 = arith.muli %scan3A_86, %mul3A_96 : i32
      %add3A_98 = arith.constant 104 : i32
      %add3A_99 = arith.addi %mul3A_97, %add3A_98 : i32
      %dma_wait3A_100 = arith.constant 0 : i32
      %dma_wait3A_101 = arith.constant 0 : i32
      %dma_wait3A_102 = tpu.memref_slice %arg9[%and3A_87, %dma_wait3A_100, %dma_wait3A_101] : memref<2x200x32xf32, #tpu.memory_space<vmem>> -> memref<1x104x32xf32, #tpu.memory_space<vmem>>
      %dma_wait3A_103 = tpu.memref_squeeze %dma_wait3A_102 : memref<1x104x32xf32, #tpu.memory_space<vmem>> -> memref<104x32xf32, #tpu.memory_space<vmem>>
      %dma_wait3A_104 = tpu.memref_slice %arg7[%mul3A_89] : memref<25600xi32, #tpu.memory_space<vmem>> -> memref<104xi32, #tpu.memory_space<vmem>>
      %dma_wait3A_105 = arith.constant 0 : i32
      %dma_wait3A_106 = arith.constant 0 : i32
      %dma_wait3A_107 = tpu.memref_slice %arg4[%dma_wait3A_105, %dma_wait3A_106] : memref<100000x32xf32, #tpu.memory_space<hbm>> -> memref<100000x32xf32, #tpu.memory_space<hbm>>
      tpu.wait_indirect_dma semaphore(%arg12 : memref<!tpu.dma_semaphore, #tpu.memory_space<semaphore_mem>>) src(%dma_wait3A_107 : memref<100000x32xf32, #tpu.memory_space<hbm>>) dst(%dma_wait3A_103 : memref<104x32xf32, #tpu.memory_space<vmem>>)
      %dma_wait3A_108 = arith.constant 104 : i32
      %dma_wait3A_109 = arith.constant 0 : i32
      %dma_wait3A_110 = tpu.memref_slice %arg9[%and3A_87, %dma_wait3A_108, %dma_wait3A_109] : memref<2x200x32xf32, #tpu.memory_space<vmem>> -> memref<1x96x32xf32, #tpu.memory_space<vmem>>
      %dma_wait3A_111 = tpu.memref_squeeze %dma_wait3A_110 : memref<1x96x32xf32, #tpu.memory_space<vmem>> -> memref<96x32xf32, #tpu.memory_space<vmem>>
      %dma_wait3A_112 = tpu.memref_slice %arg7[%add3A_93] : memref<25600xi32, #tpu.memory_space<vmem>> -> memref<96xi32, #tpu.memory_space<vmem>>
      %dma_wait3A_113 = arith.constant 0 : i32
      %dma_wait3A_114 = arith.constant 0 : i32
      %dma_wait3A_115 = tpu.memref_slice %arg4[%dma_wait3A_113, %dma_wait3A_114] : memref<100000x32xf32, #tpu.memory_space<hbm>> -> memref<100000x32xf32, #tpu.memory_space<hbm>>
      tpu.wait_indirect_dma semaphore(%arg12 : memref<!tpu.dma_semaphore, #tpu.memory_space<semaphore_mem>>) src(%dma_wait3A_115 : memref<100000x32xf32, #tpu.memory_space<hbm>>) dst(%dma_wait3A_111 : memref<96x32xf32, #tpu.memory_space<vmem>>)
      %dma_wait3A_116 = arith.constant 0 : i32
      %dma_wait3A_117 = arith.constant 0 : i32
      %dma_wait3A_118 = tpu.memref_slice %arg10[%and3A_87, %dma_wait3A_116, %dma_wait3A_117] : memref<2x200x32xf32, #tpu.memory_space<vmem>> -> memref<1x104x32xf32, #tpu.memory_space<vmem>>
      %dma_wait3A_119 = tpu.memref_squeeze %dma_wait3A_118 : memref<1x104x32xf32, #tpu.memory_space<vmem>> -> memref<104x32xf32, #tpu.memory_space<vmem>>
      %dma_wait3A_120 = tpu.memref_slice %arg8[%mul3A_95] : memref<25600xi32, #tpu.memory_space<vmem>> -> memref<104xi32, #tpu.memory_space<vmem>>
      %dma_wait3A_121 = arith.constant 0 : i32
      %dma_wait3A_122 = arith.constant 0 : i32
      %dma_wait3A_123 = tpu.memref_slice %arg5[%dma_wait3A_121, %dma_wait3A_122] : memref<100000x32xf32, #tpu.memory_space<hbm>> -> memref<100000x32xf32, #tpu.memory_space<hbm>>
      tpu.wait_indirect_dma semaphore(%arg12 : memref<!tpu.dma_semaphore, #tpu.memory_space<semaphore_mem>>) src(%dma_wait3A_123 : memref<100000x32xf32, #tpu.memory_space<hbm>>) dst(%dma_wait3A_119 : memref<104x32xf32, #tpu.memory_space<vmem>>)
      %dma_wait3A_124 = arith.constant 104 : i32
      %dma_wait3A_125 = arith.constant 0 : i32
      %dma_wait3A_126 = tpu.memref_slice %arg10[%and3A_87, %dma_wait3A_124, %dma_wait3A_125] : memref<2x200x32xf32, #tpu.memory_space<vmem>> -> memref<1x96x32xf32, #tpu.memory_space<vmem>>
      %dma_wait3A_127 = tpu.memref_squeeze %dma_wait3A_126 : memref<1x96x32xf32, #tpu.memory_space<vmem>> -> memref<96x32xf32, #tpu.memory_space<vmem>>
      %dma_wait3A_128 = tpu.memref_slice %arg8[%add3A_99] : memref<25600xi32, #tpu.memory_space<vmem>> -> memref<96xi32, #tpu.memory_space<vmem>>
      %dma_wait3A_129 = arith.constant 0 : i32
      %dma_wait3A_130 = arith.constant 0 : i32
      %dma_wait3A_131 = tpu.memref_slice %arg5[%dma_wait3A_129, %dma_wait3A_130] : memref<100000x32xf32, #tpu.memory_space<hbm>> -> memref<100000x32xf32, #tpu.memory_space<hbm>>
      tpu.wait_indirect_dma semaphore(%arg12 : memref<!tpu.dma_semaphore, #tpu.memory_space<semaphore_mem>>) src(%dma_wait3A_131 : memref<100000x32xf32, #tpu.memory_space<hbm>>) dst(%dma_wait3A_127 : memref<96x32xf32, #tpu.memory_space<vmem>>)
      %lt3A = arith.constant 127 : i32
      %lt3A_132 = arith.cmpi slt, %scan3A_86, %lt3A : i32
      %convert_element_type3A = arith.extui %lt3A_132 : i1 to i32
      %cond3A = arith.constant 0 : i32
      %cond3A_133 = arith.cmpi ne, %convert_element_type3A, %cond3A : i32
      scf.if %cond3A_133 {
        %add3A_201 = arith.constant 1 : i32
        %add3A_202 = arith.addi %scan3A_86, %add3A_201 : i32
        %sub3A = arith.constant 1 : i32
        %sub3A_203 = arith.subi %sub3A, %and3A_87 : i32
        %mul3A_204 = arith.constant 200 : i32
        %mul3A_205 = arith.muli %add3A_202, %mul3A_204 : i32
        %mul3A_206 = arith.constant 200 : i32
        %mul3A_207 = arith.muli %add3A_202, %mul3A_206 : i32
        %add3A_208 = arith.constant 104 : i32
        %add3A_209 = arith.addi %mul3A_207, %add3A_208 : i32
        %mul3A_210 = arith.constant 200 : i32
        %mul3A_211 = arith.muli %add3A_202, %mul3A_210 : i32
        %mul3A_212 = arith.constant 200 : i32
        %mul3A_213 = arith.muli %add3A_202, %mul3A_212 : i32
        %add3A_214 = arith.constant 104 : i32
        %add3A_215 = arith.addi %mul3A_213, %add3A_214 : i32
        %dma_start3A_216 = arith.constant 0 : i32
        %dma_start3A_217 = arith.constant 0 : i32
        %dma_start3A_218 = tpu.memref_slice %arg9[%sub3A_203, %dma_start3A_216, %dma_start3A_217] : memref<2x200x32xf32, #tpu.memory_space<vmem>> -> memref<1x104x32xf32, #tpu.memory_space<vmem>>
        %dma_start3A_219 = tpu.memref_squeeze %dma_start3A_218 : memref<1x104x32xf32, #tpu.memory_space<vmem>> -> memref<104x32xf32, #tpu.memory_space<vmem>>
        %dma_start3A_220 = tpu.memref_slice %arg7[%mul3A_205] : memref<25600xi32, #tpu.memory_space<vmem>> -> memref<104xi32, #tpu.memory_space<vmem>>
        %dma_start3A_221 = arith.constant 0 : i32
        %dma_start3A_222 = arith.constant 0 : i32
        %dma_start3A_223 = tpu.memref_slice %arg4[%dma_start3A_221, %dma_start3A_222] : memref<100000x32xf32, #tpu.memory_space<hbm>> -> memref<100000x32xf32, #tpu.memory_space<hbm>>
        tpu.enqueue_indirect_dma source(%dma_start3A_223 : memref<100000x32xf32, #tpu.memory_space<hbm>>) target(%dma_start3A_219 : memref<104x32xf32, #tpu.memory_space<vmem>>) offsets(%dma_start3A_220 : memref<104xi32, #tpu.memory_space<vmem>>) semaphore(%arg12 : memref<!tpu.dma_semaphore, #tpu.memory_space<semaphore_mem>>)
        %dma_start3A_224 = arith.constant 104 : i32
        %dma_start3A_225 = arith.constant 0 : i32
        %dma_start3A_226 = tpu.memref_slice %arg9[%sub3A_203, %dma_start3A_224, %dma_start3A_225] : memref<2x200x32xf32, #tpu.memory_space<vmem>> -> memref<1x96x32xf32, #tpu.memory_space<vmem>>
        %dma_start3A_227 = tpu.memref_squeeze %dma_start3A_226 : memref<1x96x32xf32, #tpu.memory_space<vmem>> -> memref<96x32xf32, #tpu.memory_space<vmem>>
        %dma_start3A_228 = tpu.memref_slice %arg7[%add3A_209] : memref<25600xi32, #tpu.memory_space<vmem>> -> memref<96xi32, #tpu.memory_space<vmem>>
        %dma_start3A_229 = arith.constant 0 : i32
        %dma_start3A_230 = arith.constant 0 : i32
        %dma_start3A_231 = tpu.memref_slice %arg4[%dma_start3A_229, %dma_start3A_230] : memref<100000x32xf32, #tpu.memory_space<hbm>> -> memref<100000x32xf32, #tpu.memory_space<hbm>>
        tpu.enqueue_indirect_dma source(%dma_start3A_231 : memref<100000x32xf32, #tpu.memory_space<hbm>>) target(%dma_start3A_227 : memref<96x32xf32, #tpu.memory_space<vmem>>) offsets(%dma_start3A_228 : memref<96xi32, #tpu.memory_space<vmem>>) semaphore(%arg12 : memref<!tpu.dma_semaphore, #tpu.memory_space<semaphore_mem>>)
        %dma_start3A_232 = arith.constant 0 : i32
        %dma_start3A_233 = arith.constant 0 : i32
        %dma_start3A_234 = tpu.memref_slice %arg10[%sub3A_203, %dma_start3A_232, %dma_start3A_233] : memref<2x200x32xf32, #tpu.memory_space<vmem>> -> memref<1x104x32xf32, #tpu.memory_space<vmem>>
        %dma_start3A_235 = tpu.memref_squeeze %dma_start3A_234 : memref<1x104x32xf32, #tpu.memory_space<vmem>> -> memref<104x32xf32, #tpu.memory_space<vmem>>
        %dma_start3A_236 = tpu.memref_slice %arg8[%mul3A_211] : memref<25600xi32, #tpu.memory_space<vmem>> -> memref<104xi32, #tpu.memory_space<vmem>>
        %dma_start3A_237 = arith.constant 0 : i32
        %dma_start3A_238 = arith.constant 0 : i32
        %dma_start3A_239 = tpu.memref_slice %arg5[%dma_start3A_237, %dma_start3A_238] : memref<100000x32xf32, #tpu.memory_space<hbm>> -> memref<100000x32xf32, #tpu.memory_space<hbm>>
        tpu.enqueue_indirect_dma source(%dma_start3A_239 : memref<100000x32xf32, #tpu.memory_space<hbm>>) target(%dma_start3A_235 : memref<104x32xf32, #tpu.memory_space<vmem>>) offsets(%dma_start3A_236 : memref<104xi32, #tpu.memory_space<vmem>>) semaphore(%arg12 : memref<!tpu.dma_semaphore, #tpu.memory_space<semaphore_mem>>)
        %dma_start3A_240 = arith.constant 104 : i32
        %dma_start3A_241 = arith.constant 0 : i32
        %dma_start3A_242 = tpu.memref_slice %arg10[%sub3A_203, %dma_start3A_240, %dma_start3A_241] : memref<2x200x32xf32, #tpu.memory_space<vmem>> -> memref<1x96x32xf32, #tpu.memory_space<vmem>>
        %dma_start3A_243 = tpu.memref_squeeze %dma_start3A_242 : memref<1x96x32xf32, #tpu.memory_space<vmem>> -> memref<96x32xf32, #tpu.memory_space<vmem>>
        %dma_start3A_244 = tpu.memref_slice %arg8[%add3A_215] : memref<25600xi32, #tpu.memory_space<vmem>> -> memref<96xi32, #tpu.memory_space<vmem>>
        %dma_start3A_245 = arith.constant 0 : i32
        %dma_start3A_246 = arith.constant 0 : i32
        %dma_start3A_247 = tpu.memref_slice %arg5[%dma_start3A_245, %dma_start3A_246] : memref<100000x32xf32, #tpu.memory_space<hbm>> -> memref<100000x32xf32, #tpu.memory_space<hbm>>
        tpu.enqueue_indirect_dma source(%dma_start3A_247 : memref<100000x32xf32, #tpu.memory_space<hbm>>) target(%dma_start3A_243 : memref<96x32xf32, #tpu.memory_space<vmem>>) offsets(%dma_start3A_244 : memref<96xi32, #tpu.memory_space<vmem>>) semaphore(%arg12 : memref<!tpu.dma_semaphore, #tpu.memory_space<semaphore_mem>>)
      } else {
      }
      %ge3A = arith.constant 2 : i32
      %ge3A_134 = arith.cmpi sge, %scan3A_86, %ge3A : i32
      %convert_element_type3A_135 = arith.extui %ge3A_134 : i1 to i32
      %cond3A_136 = arith.constant 0 : i32
      %cond3A_137 = arith.cmpi ne, %convert_element_type3A_135, %cond3A_136 : i32
      scf.if %cond3A_137 {
        %sub3A = arith.constant 2 : i32
        %sub3A_201 = arith.subi %scan3A_86, %sub3A : i32
        %add3A_202 = arith.addi %mul3A_2, %sub3A_201 : i32
        %mul3A_203 = arith.constant 800 : i32
        %mul3A_204 = arith.muli %add3A_202, %mul3A_203 : i32
        %dma_wait3A_205 = arith.constant 0 : i32
        %dma_wait3A_206 = tpu.memref_slice %arg11[%and3A_87, %dma_wait3A_205] : memref<2x800xf32, #tpu.memory_space<vmem>> -> memref<1x800xf32, #tpu.memory_space<vmem>>
        %dma_wait3A_207 = tpu.memref_squeeze %dma_wait3A_206 : memref<1x800xf32, #tpu.memory_space<vmem>> -> memref<800xf32, #tpu.memory_space<vmem>>
        %dma_wait3A_208 = tpu.memref_slice %arg6[%mul3A_204] : memref<3276800xf32, #tpu.memory_space<hbm>> -> memref<800xf32, #tpu.memory_space<hbm>>
        %dma_wait3A_209 = tpu.memref_slice %arg6[%mul3A_204] : memref<3276800xf32, #tpu.memory_space<hbm>> -> memref<800xf32, #tpu.memory_space<hbm>>
        %dma_wait3A_210 = arith.constant 0 : i32
        %dma_wait3A_211 = tpu.memref_slice %arg11[%and3A_87, %dma_wait3A_210] : memref<2x800xf32, #tpu.memory_space<vmem>> -> memref<1x800xf32, #tpu.memory_space<vmem>>
        %dma_wait3A_212 = tpu.memref_squeeze %dma_wait3A_211 : memref<1x800xf32, #tpu.memory_space<vmem>> -> memref<800xf32, #tpu.memory_space<vmem>>
        tpu.wait_dma2 semaphore(%arg13 : memref<!tpu.dma_semaphore, #tpu.memory_space<semaphore_mem>>) src(%dma_wait3A_212 : memref<800xf32, #tpu.memory_space<vmem>>) dst(%dma_wait3A_209 : memref<800xf32, #tpu.memory_space<hbm>>)
      } else {
      }
      %scan3A_138 = arith.constant 0 : i32
      %scan3A_139 = arith.constant 25 : i32
      %scan3A_140 = arith.addi %scan3A_138, %scan3A_139 : i32
      %scan3A_141 = arith.constant 1 : i32
      %scan3A_142:2 = scf.for %scan3A_201 = %scan3A_138 to %scan3A_140 step %scan3A_141 iter_args(%scan3A_202 = %broadcast_in_dim3A_12, %scan3A_203 = %broadcast_in_dim3A_12) -> (vector<16xf32>, vector<16xf32>)  : i32 {
        %mul3A_204 = arith.constant 8 : i32
        %mul3A_205 = arith.muli %mul3A_204, %scan3A_201 : i32
        %add3A_206 = arith.constant 0 : i32
        %add3A_207 = arith.addi %mul3A_205, %add3A_206 : i32
        %get3A_208 = arith.index_cast %and3A_87 : i32 to index
        %get3A_209 = arith.index_cast %add3A_207 : i32 to index
        %get3A_210 = arith.constant 0 : index
        %get3A_211 = tpu.vector_load %arg9[%get3A_208, %get3A_209, %get3A_210] {strides = array<i32>} : memref<2x200x32xf32, #tpu.memory_space<vmem>>, vector<16xf32>,
        %add3A_212 = arith.addf %broadcast_in_dim3A_12, %get3A_211 : vector<16xf32>
        %add3A_213 = arith.constant 0 : i32
        %add3A_214 = arith.addi %mul3A_205, %add3A_213 : i32
        %get3A_215 = arith.index_cast %and3A_87 : i32 to index
        %get3A_216 = arith.index_cast %add3A_214 : i32 to index
        %get3A_217 = arith.constant 0 : index
        %get3A_218 = tpu.vector_load %arg10[%get3A_215, %get3A_216, %get3A_217] {strides = array<i32>} : memref<2x200x32xf32, #tpu.memory_space<vmem>>, vector<16xf32>,
        %add3A_219 = arith.addf %add3A_212, %get3A_218 : vector<16xf32>
        %add3A_220 = arith.constant 0 : i32
        %add3A_221 = arith.addi %mul3A_205, %add3A_220 : i32
        %get3A_222 = arith.index_cast %and3A_87 : i32 to index
        %get3A_223 = arith.index_cast %add3A_221 : i32 to index
        %get3A_224 = arith.constant 16 : index
        %get3A_225 = tpu.vector_load %arg9[%get3A_222, %get3A_223, %get3A_224] {strides = array<i32>} : memref<2x200x32xf32, #tpu.memory_space<vmem>>, vector<16xf32>,
        %add3A_226 = arith.addf %broadcast_in_dim3A_12, %get3A_225 : vector<16xf32>
        %add3A_227 = arith.constant 0 : i32
        %add3A_228 = arith.addi %mul3A_205, %add3A_227 : i32
        %get3A_229 = arith.index_cast %and3A_87 : i32 to index
        %get3A_230 = arith.index_cast %add3A_228 : i32 to index
        %get3A_231 = arith.constant 16 : index
        %get3A_232 = tpu.vector_load %arg10[%get3A_229, %get3A_230, %get3A_231] {strides = array<i32>} : memref<2x200x32xf32, #tpu.memory_space<vmem>>, vector<16xf32>,
        %add3A_233 = arith.addf %add3A_226, %get3A_232 : vector<16xf32>
        %add3A_234 = arith.constant 1 : i32
        %add3A_235 = arith.addi %mul3A_205, %add3A_234 : i32
        %get3A_236 = arith.index_cast %and3A_87 : i32 to index
        %get3A_237 = arith.index_cast %add3A_235 : i32 to index
        %get3A_238 = arith.constant 0 : index
        %get3A_239 = tpu.vector_load %arg9[%get3A_236, %get3A_237, %get3A_238] {strides = array<i32>} : memref<2x200x32xf32, #tpu.memory_space<vmem>>, vector<16xf32>,
        %add3A_240 = arith.addf %add3A_219, %get3A_239 : vector<16xf32>
        %add3A_241 = arith.constant 1 : i32
        %add3A_242 = arith.addi %mul3A_205, %add3A_241 : i32
        %get3A_243 = arith.index_cast %and3A_87 : i32 to index
        %get3A_244 = arith.index_cast %add3A_242 : i32 to index
        %get3A_245 = arith.constant 0 : index
        %get3A_246 = tpu.vector_load %arg10[%get3A_243, %get3A_244, %get3A_245] {strides = array<i32>} : memref<2x200x32xf32, #tpu.memory_space<vmem>>, vector<16xf32>,
        %add3A_247 = arith.addf %add3A_240, %get3A_246 : vector<16xf32>
        %add3A_248 = arith.constant 1 : i32
        %add3A_249 = arith.addi %mul3A_205, %add3A_248 : i32
        %get3A_250 = arith.index_cast %and3A_87 : i32 to index
        %get3A_251 = arith.index_cast %add3A_249 : i32 to index
        %get3A_252 = arith.constant 16 : index
        %get3A_253 = tpu.vector_load %arg9[%get3A_250, %get3A_251, %get3A_252] {strides = array<i32>} : memref<2x200x32xf32, #tpu.memory_space<vmem>>, vector<16xf32>,
        %add3A_254 = arith.addf %add3A_233, %get3A_253 : vector<16xf32>
        %add3A_255 = arith.constant 1 : i32
        %add3A_256 = arith.addi %mul3A_205, %add3A_255 : i32
        %get3A_257 = arith.index_cast %and3A_87 : i32 to index
        %get3A_258 = arith.index_cast %add3A_256 : i32 to index
        %get3A_259 = arith.constant 16 : index
        %get3A_260 = tpu.vector_load %arg10[%get3A_257, %get3A_258, %get3A_259] {strides = array<i32>} : memref<2x200x32xf32, #tpu.memory_space<vmem>>, vector<16xf32>,
        %add3A_261 = arith.addf %add3A_254, %get3A_260 : vector<16xf32>
        %add3A_262 = arith.constant 2 : i32
        %add3A_263 = arith.addi %mul3A_205, %add3A_262 : i32
        %get3A_264 = arith.index_cast %and3A_87 : i32 to index
        %get3A_265 = arith.index_cast %add3A_263 : i32 to index
        %get3A_266 = arith.constant 0 : index
        %get3A_267 = tpu.vector_load %arg9[%get3A_264, %get3A_265, %get3A_266] {strides = array<i32>} : memref<2x200x32xf32, #tpu.memory_space<vmem>>, vector<16xf32>,
        %add3A_268 = arith.addf %add3A_247, %get3A_267 : vector<16xf32>
        %add3A_269 = arith.constant 2 : i32
        %add3A_270 = arith.addi %mul3A_205, %add3A_269 : i32
        %get3A_271 = arith.index_cast %and3A_87 : i32 to index
        %get3A_272 = arith.index_cast %add3A_270 : i32 to index
        %get3A_273 = arith.constant 0 : index
        %get3A_274 = tpu.vector_load %arg10[%get3A_271, %get3A_272, %get3A_273] {strides = array<i32>} : memref<2x200x32xf32, #tpu.memory_space<vmem>>, vector<16xf32>,
        %add3A_275 = arith.addf %add3A_268, %get3A_274 : vector<16xf32>
        %add3A_276 = arith.constant 2 : i32
        %add3A_277 = arith.addi %mul3A_205, %add3A_276 : i32
        %get3A_278 = arith.index_cast %and3A_87 : i32 to index
        %get3A_279 = arith.index_cast %add3A_277 : i32 to index
        %get3A_280 = arith.constant 16 : index
        %get3A_281 = tpu.vector_load %arg9[%get3A_278, %get3A_279, %get3A_280] {strides = array<i32>} : memref<2x200x32xf32, #tpu.memory_space<vmem>>, vector<16xf32>,
        %add3A_282 = arith.addf %add3A_261, %get3A_281 : vector<16xf32>
        %add3A_283 = arith.constant 2 : i32
        %add3A_284 = arith.addi %mul3A_205, %add3A_283 : i32
        %get3A_285 = arith.index_cast %and3A_87 : i32 to index
        %get3A_286 = arith.index_cast %add3A_284 : i32 to index
        %get3A_287 = arith.constant 16 : index
        %get3A_288 = tpu.vector_load %arg10[%get3A_285, %get3A_286, %get3A_287] {strides = array<i32>} : memref<2x200x32xf32, #tpu.memory_space<vmem>>, vector<16xf32>,
        %add3A_289 = arith.addf %add3A_282, %get3A_288 : vector<16xf32>
        %add3A_290 = arith.constant 3 : i32
        %add3A_291 = arith.addi %mul3A_205, %add3A_290 : i32
        %get3A_292 = arith.index_cast %and3A_87 : i32 to index
        %get3A_293 = arith.index_cast %add3A_291 : i32 to index
        %get3A_294 = arith.constant 0 : index
        %get3A_295 = tpu.vector_load %arg9[%get3A_292, %get3A_293, %get3A_294] {strides = array<i32>} : memref<2x200x32xf32, #tpu.memory_space<vmem>>, vector<16xf32>,
        %add3A_296 = arith.addf %add3A_275, %get3A_295 : vector<16xf32>
        %add3A_297 = arith.constant 3 : i32
        %add3A_298 = arith.addi %mul3A_205, %add3A_297 : i32
        %get3A_299 = arith.index_cast %and3A_87 : i32 to index
        %get3A_300 = arith.index_cast %add3A_298 : i32 to index
        %get3A_301 = arith.constant 0 : index
        %get3A_302 = tpu.vector_load %arg10[%get3A_299, %get3A_300, %get3A_301] {strides = array<i32>} : memref<2x200x32xf32, #tpu.memory_space<vmem>>, vector<16xf32>,
        %add3A_303 = arith.addf %add3A_296, %get3A_302 : vector<16xf32>
        %add3A_304 = arith.constant 3 : i32
        %add3A_305 = arith.addi %mul3A_205, %add3A_304 : i32
        %get3A_306 = arith.index_cast %and3A_87 : i32 to index
        %get3A_307 = arith.index_cast %add3A_305 : i32 to index
        %get3A_308 = arith.constant 16 : index
        %get3A_309 = tpu.vector_load %arg9[%get3A_306, %get3A_307, %get3A_308] {strides = array<i32>} : memref<2x200x32xf32, #tpu.memory_space<vmem>>, vector<16xf32>,
        %add3A_310 = arith.addf %add3A_289, %get3A_309 : vector<16xf32>
        %add3A_311 = arith.constant 3 : i32
        %add3A_312 = arith.addi %mul3A_205, %add3A_311 : i32
        %get3A_313 = arith.index_cast %and3A_87 : i32 to index
        %get3A_314 = arith.index_cast %add3A_312 : i32 to index
        %get3A_315 = arith.constant 16 : index
        %get3A_316 = tpu.vector_load %arg10[%get3A_313, %get3A_314, %get3A_315] {strides = array<i32>} : memref<2x200x32xf32, #tpu.memory_space<vmem>>, vector<16xf32>,
        %add3A_317 = arith.addf %add3A_310, %get3A_316 : vector<16xf32>
        %add3A_318 = arith.constant 4 : i32
        %add3A_319 = arith.addi %mul3A_205, %add3A_318 : i32
        %get3A_320 = arith.index_cast %and3A_87 : i32 to index
        %get3A_321 = arith.index_cast %add3A_319 : i32 to index
        %get3A_322 = arith.constant 0 : index
        %get3A_323 = tpu.vector_load %arg9[%get3A_320, %get3A_321, %get3A_322] {strides = array<i32>} : memref<2x200x32xf32, #tpu.memory_space<vmem>>, vector<16xf32>,
        %add3A_324 = arith.addf %add3A_303, %get3A_323 : vector<16xf32>
        %add3A_325 = arith.constant 4 : i32
        %add3A_326 = arith.addi %mul3A_205, %add3A_325 : i32
        %get3A_327 = arith.index_cast %and3A_87 : i32 to index
        %get3A_328 = arith.index_cast %add3A_326 : i32 to index
        %get3A_329 = arith.constant 0 : index
        %get3A_330 = tpu.vector_load %arg10[%get3A_327, %get3A_328, %get3A_329] {strides = array<i32>} : memref<2x200x32xf32, #tpu.memory_space<vmem>>, vector<16xf32>,
        %add3A_331 = arith.addf %add3A_324, %get3A_330 : vector<16xf32>
        %add3A_332 = arith.constant 4 : i32
        %add3A_333 = arith.addi %mul3A_205, %add3A_332 : i32
        %get3A_334 = arith.index_cast %and3A_87 : i32 to index
        %get3A_335 = arith.index_cast %add3A_333 : i32 to index
        %get3A_336 = arith.constant 16 : index
        %get3A_337 = tpu.vector_load %arg9[%get3A_334, %get3A_335, %get3A_336] {strides = array<i32>} : memref<2x200x32xf32, #tpu.memory_space<vmem>>, vector<16xf32>,
        %add3A_338 = arith.addf %add3A_317, %get3A_337 : vector<16xf32>
        %add3A_339 = arith.constant 4 : i32
        %add3A_340 = arith.addi %mul3A_205, %add3A_339 : i32
        %get3A_341 = arith.index_cast %and3A_87 : i32 to index
        %get3A_342 = arith.index_cast %add3A_340 : i32 to index
        %get3A_343 = arith.constant 16 : index
        %get3A_344 = tpu.vector_load %arg10[%get3A_341, %get3A_342, %get3A_343] {strides = array<i32>} : memref<2x200x32xf32, #tpu.memory_space<vmem>>, vector<16xf32>,
        %add3A_345 = arith.addf %add3A_338, %get3A_344 : vector<16xf32>
        %add3A_346 = arith.constant 5 : i32
        %add3A_347 = arith.addi %mul3A_205, %add3A_346 : i32
        %get3A_348 = arith.index_cast %and3A_87 : i32 to index
        %get3A_349 = arith.index_cast %add3A_347 : i32 to index
        %get3A_350 = arith.constant 0 : index
        %get3A_351 = tpu.vector_load %arg9[%get3A_348, %get3A_349, %get3A_350] {strides = array<i32>} : memref<2x200x32xf32, #tpu.memory_space<vmem>>, vector<16xf32>,
        %add3A_352 = arith.addf %add3A_331, %get3A_351 : vector<16xf32>
        %add3A_353 = arith.constant 5 : i32
        %add3A_354 = arith.addi %mul3A_205, %add3A_353 : i32
        %get3A_355 = arith.index_cast %and3A_87 : i32 to index
        %get3A_356 = arith.index_cast %add3A_354 : i32 to index
        %get3A_357 = arith.constant 0 : index
        %get3A_358 = tpu.vector_load %arg10[%get3A_355, %get3A_356, %get3A_357] {strides = array<i32>} : memref<2x200x32xf32, #tpu.memory_space<vmem>>, vector<16xf32>,
        %add3A_359 = arith.addf %add3A_352, %get3A_358 : vector<16xf32>
        %add3A_360 = arith.constant 5 : i32
        %add3A_361 = arith.addi %mul3A_205, %add3A_360 : i32
        %get3A_362 = arith.index_cast %and3A_87 : i32 to index
        %get3A_363 = arith.index_cast %add3A_361 : i32 to index
        %get3A_364 = arith.constant 16 : index
        %get3A_365 = tpu.vector_load %arg9[%get3A_362, %get3A_363, %get3A_364] {strides = array<i32>} : memref<2x200x32xf32, #tpu.memory_space<vmem>>, vector<16xf32>,
        %add3A_366 = arith.addf %add3A_345, %get3A_365 : vector<16xf32>
        %add3A_367 = arith.constant 5 : i32
        %add3A_368 = arith.addi %mul3A_205, %add3A_367 : i32
        %get3A_369 = arith.index_cast %and3A_87 : i32 to index
        %get3A_370 = arith.index_cast %add3A_368 : i32 to index
        %get3A_371 = arith.constant 16 : index
        %get3A_372 = tpu.vector_load %arg10[%get3A_369, %get3A_370, %get3A_371] {strides = array<i32>} : memref<2x200x32xf32, #tpu.memory_space<vmem>>, vector<16xf32>,
        %add3A_373 = arith.addf %add3A_366, %get3A_372 : vector<16xf32>
        %add3A_374 = arith.constant 6 : i32
        %add3A_375 = arith.addi %mul3A_205, %add3A_374 : i32
        %get3A_376 = arith.index_cast %and3A_87 : i32 to index
        %get3A_377 = arith.index_cast %add3A_375 : i32 to index
        %get3A_378 = arith.constant 0 : index
        %get3A_379 = tpu.vector_load %arg9[%get3A_376, %get3A_377, %get3A_378] {strides = array<i32>} : memref<2x200x32xf32, #tpu.memory_space<vmem>>, vector<16xf32>,
        %add3A_380 = arith.addf %add3A_359, %get3A_379 : vector<16xf32>
        %add3A_381 = arith.constant 6 : i32
        %add3A_382 = arith.addi %mul3A_205, %add3A_381 : i32
        %get3A_383 = arith.index_cast %and3A_87 : i32 to index
        %get3A_384 = arith.index_cast %add3A_382 : i32 to index
        %get3A_385 = arith.constant 0 : index
        %get3A_386 = tpu.vector_load %arg10[%get3A_383, %get3A_384, %get3A_385] {strides = array<i32>} : memref<2x200x32xf32, #tpu.memory_space<vmem>>, vector<16xf32>,
        %add3A_387 = arith.addf %add3A_380, %get3A_386 : vector<16xf32>
        %add3A_388 = arith.constant 6 : i32
        %add3A_389 = arith.addi %mul3A_205, %add3A_388 : i32
        %get3A_390 = arith.index_cast %and3A_87 : i32 to index
        %get3A_391 = arith.index_cast %add3A_389 : i32 to index
        %get3A_392 = arith.constant 16 : index
        %get3A_393 = tpu.vector_load %arg9[%get3A_390, %get3A_391, %get3A_392] {strides = array<i32>} : memref<2x200x32xf32, #tpu.memory_space<vmem>>, vector<16xf32>,
        %add3A_394 = arith.addf %add3A_373, %get3A_393 : vector<16xf32>
        %add3A_395 = arith.constant 6 : i32
        %add3A_396 = arith.addi %mul3A_205, %add3A_395 : i32
        %get3A_397 = arith.index_cast %and3A_87 : i32 to index
        %get3A_398 = arith.index_cast %add3A_396 : i32 to index
        %get3A_399 = arith.constant 16 : index
        %get3A_400 = tpu.vector_load %arg10[%get3A_397, %get3A_398, %get3A_399] {strides = array<i32>} : memref<2x200x32xf32, #tpu.memory_space<vmem>>, vector<16xf32>,
        %add3A_401 = arith.addf %add3A_394, %get3A_400 : vector<16xf32>
        %add3A_402 = arith.constant 7 : i32
        %add3A_403 = arith.addi %mul3A_205, %add3A_402 : i32
        %get3A_404 = arith.index_cast %and3A_87 : i32 to index
        %get3A_405 = arith.index_cast %add3A_403 : i32 to index
        %get3A_406 = arith.constant 0 : index
        %get3A_407 = tpu.vector_load %arg9[%get3A_404, %get3A_405, %get3A_406] {strides = array<i32>} : memref<2x200x32xf32, #tpu.memory_space<vmem>>, vector<16xf32>,
        %add3A_408 = arith.addf %add3A_387, %get3A_407 : vector<16xf32>
        %add3A_409 = arith.constant 7 : i32
        %add3A_410 = arith.addi %mul3A_205, %add3A_409 : i32
        %get3A_411 = arith.index_cast %and3A_87 : i32 to index
        %get3A_412 = arith.index_cast %add3A_410 : i32 to index
        %get3A_413 = arith.constant 0 : index
        %get3A_414 = tpu.vector_load %arg10[%get3A_411, %get3A_412, %get3A_413] {strides = array<i32>} : memref<2x200x32xf32, #tpu.memory_space<vmem>>, vector<16xf32>,
        %add3A_415 = arith.addf %add3A_408, %get3A_414 : vector<16xf32>
        %add3A_416 = arith.constant 7 : i32
        %add3A_417 = arith.addi %mul3A_205, %add3A_416 : i32
        %get3A_418 = arith.index_cast %and3A_87 : i32 to index
        %get3A_419 = arith.index_cast %add3A_417 : i32 to index
        %get3A_420 = arith.constant 16 : index
        %get3A_421 = tpu.vector_load %arg9[%get3A_418, %get3A_419, %get3A_420] {strides = array<i32>} : memref<2x200x32xf32, #tpu.memory_space<vmem>>, vector<16xf32>,
        %add3A_422 = arith.addf %add3A_401, %get3A_421 : vector<16xf32>
        %add3A_423 = arith.constant 7 : i32
        %add3A_424 = arith.addi %mul3A_205, %add3A_423 : i32
        %get3A_425 = arith.index_cast %and3A_87 : i32 to index
        %get3A_426 = arith.index_cast %add3A_424 : i32 to index
        %get3A_427 = arith.constant 16 : index
        %get3A_428 = tpu.vector_load %arg10[%get3A_425, %get3A_426, %get3A_427] {strides = array<i32>} : memref<2x200x32xf32, #tpu.memory_space<vmem>>, vector<16xf32>,
        %add3A_429 = arith.addf %add3A_422, %get3A_428 : vector<16xf32>
        %gt3A = arith.constant 0 : i32
        %gt3A_430 = arith.cmpi sgt, %scan3A_201, %gt3A : i32
        %convert_element_type3A_431 = arith.extui %gt3A_430 : i1 to i32
        %cond3A_432 = arith.constant 0 : i32
        %cond3A_433 = arith.cmpi ne, %convert_element_type3A_431, %cond3A_432 : i32
        scf.if %cond3A_433 {
          %sub3A = arith.constant 1 : i32
          %sub3A_434 = arith.subi %scan3A_201, %sub3A : i32
          %broadcast_in_dim3A_435 = vector.broadcast %sub3A_434 : i32 to vector<16xi32>
          %add3A_436 = arith.addi %mul3A_5, %broadcast_in_dim3A_435 : vector<16xi32>
          %add3A_437 = arith.addf %scan3A_202, %add3A_415 : vector<16xf32>
          %mul3A_438 = arith.constant 6.250000e-02 : f32
          %mul3A_439 = vector.broadcast %mul3A_438 : f32 to vector<16xf32>
          %mul3A_440 = arith.mulf %add3A_437, %mul3A_439 : vector<16xf32>
          %scatter3A_441 = arith.constant 0 : i32
          %scatter3A_442 = tpu.memref_slice %arg11[%and3A_87, %scatter3A_441] : memref<2x800xf32, #tpu.memory_space<vmem>> -> memref<1x800xf32, #tpu.memory_space<vmem>>
          %scatter3A_443 = tpu.memref_squeeze %scatter3A_442 : memref<1x800xf32, #tpu.memory_space<vmem>> -> memref<800xf32, #tpu.memory_space<vmem>>
          tpu.vector_store_idx %scatter3A_443[%add3A_436], %mul3A_440 : memref<800xf32, #tpu.memory_space<vmem>>[vector<16xi32>], vector<16xf32>,
          %add3A_444 = arith.addi %mul3A_11, %broadcast_in_dim3A_435 : vector<16xi32>
          %add3A_445 = arith.addf %scan3A_203, %add3A_429 : vector<16xf32>
          %mul3A_446 = arith.constant 6.250000e-02 : f32
          %mul3A_447 = vector.broadcast %mul3A_446 : f32 to vector<16xf32>
          %mul3A_448 = arith.mulf %add3A_445, %mul3A_447 : vector<16xf32>
          %scatter3A_449 = arith.constant 0 : i32
          %scatter3A_450 = tpu.memref_slice %arg11[%and3A_87, %scatter3A_449] : memref<2x800xf32, #tpu.memory_space<vmem>> -> memref<1x800xf32, #tpu.memory_space<vmem>>
          %scatter3A_451 = tpu.memref_squeeze %scatter3A_450 : memref<1x800xf32, #tpu.memory_space<vmem>> -> memref<800xf32, #tpu.memory_space<vmem>>
          tpu.vector_store_idx %scatter3A_451[%add3A_444], %mul3A_448 : memref<800xf32, #tpu.memory_space<vmem>>[vector<16xi32>], vector<16xf32>,
        } else {
        }
        scf.yield %add3A_415, %add3A_429 : vector<16xf32>, vector<16xf32>
      }
      %scan3A_143 = arith.constant 25 : i32
      %get3A = arith.constant 199 : i32
      %get3A_144 = arith.index_cast %and3A_87 : i32 to index
      %get3A_145 = arith.index_cast %get3A : i32 to index
      %get3A_146 = arith.constant 0 : index
      %get3A_147 = tpu.vector_load %arg9[%get3A_144, %get3A_145, %get3A_146] {strides = array<i32>} : memref<2x200x32xf32, #tpu.memory_space<vmem>>, vector<16xf32>,
      %get3A_148 = arith.constant 199 : i32
      %get3A_149 = arith.index_cast %and3A_87 : i32 to index
      %get3A_150 = arith.index_cast %get3A_148 : i32 to index
      %get3A_151 = arith.constant 0 : index
      %get3A_152 = tpu.vector_load %arg10[%get3A_149, %get3A_150, %get3A_151] {strides = array<i32>} : memref<2x200x32xf32, #tpu.memory_space<vmem>>, vector<16xf32>,
      %add3A_153 = arith.addf %get3A_147, %get3A_152 : vector<16xf32>
      %mul3A_154 = arith.constant 8.000000e+00 : f32
      %mul3A_155 = vector.broadcast %mul3A_154 : f32 to vector<16xf32>
      %mul3A_156 = arith.mulf %add3A_153, %mul3A_155 : vector<16xf32>
      %get3A_157 = arith.constant 199 : i32
      %get3A_158 = arith.index_cast %and3A_87 : i32 to index
      %get3A_159 = arith.index_cast %get3A_157 : i32 to index
      %get3A_160 = arith.constant 16 : index
      %get3A_161 = tpu.vector_load %arg9[%get3A_158, %get3A_159, %get3A_160] {strides = array<i32>} : memref<2x200x32xf32, #tpu.memory_space<vmem>>, vector<16xf32>,
      %get3A_162 = arith.constant 199 : i32
      %get3A_163 = arith.index_cast %and3A_87 : i32 to index
      %get3A_164 = arith.index_cast %get3A_162 : i32 to index
      %get3A_165 = arith.constant 16 : index
      %get3A_166 = tpu.vector_load %arg10[%get3A_163, %get3A_164, %get3A_165] {strides = array<i32>} : memref<2x200x32xf32, #tpu.memory_space<vmem>>, vector<16xf32>,
      %add3A_167 = arith.addf %get3A_161, %get3A_166 : vector<16xf32>
      %mul3A_168 = arith.constant 8.000000e+00 : f32
      %mul3A_169 = vector.broadcast %mul3A_168 : f32 to vector<16xf32>
      %mul3A_170 = arith.mulf %add3A_167, %mul3A_169 : vector<16xf32>
      %add3A_171 = arith.constant 24 : i32
      %add3A_172 = vector.broadcast %add3A_171 : i32 to vector<16xi32>
      %add3A_173 = arith.addi %mul3A_5, %add3A_172 : vector<16xi32>
      %add3A_174 = arith.addf %scan3A_142#0, %mul3A_156 : vector<16xf32>
      %mul3A_175 = arith.constant 6.250000e-02 : f32
      %mul3A_176 = vector.broadcast %mul3A_175 : f32 to vector<16xf32>
      %mul3A_177 = arith.mulf %add3A_174, %mul3A_176 : vector<16xf32>
      %scatter3A = arith.constant 0 : i32
      %scatter3A_178 = tpu.memref_slice %arg11[%and3A_87, %scatter3A] : memref<2x800xf32, #tpu.memory_space<vmem>> -> memref<1x800xf32, #tpu.memory_space<vmem>>
      %scatter3A_179 = tpu.memref_squeeze %scatter3A_178 : memref<1x800xf32, #tpu.memory_space<vmem>> -> memref<800xf32, #tpu.memory_space<vmem>>
      tpu.vector_store_idx %scatter3A_179[%add3A_173], %mul3A_177 : memref<800xf32, #tpu.memory_space<vmem>>[vector<16xi32>], vector<16xf32>,
      %add3A_180 = arith.constant 24 : i32
      %add3A_181 = vector.broadcast %add3A_180 : i32 to vector<16xi32>
      %add3A_182 = arith.addi %mul3A_11, %add3A_181 : vector<16xi32>
      %add3A_183 = arith.addf %scan3A_142#1, %mul3A_170 : vector<16xf32>
      %mul3A_184 = arith.constant 6.250000e-02 : f32
      %mul3A_185 = vector.broadcast %mul3A_184 : f32 to vector<16xf32>
      %mul3A_186 = arith.mulf %add3A_183, %mul3A_185 : vector<16xf32>
      %scatter3A_187 = arith.constant 0 : i32
      %scatter3A_188 = tpu.memref_slice %arg11[%and3A_87, %scatter3A_187] : memref<2x800xf32, #tpu.memory_space<vmem>> -> memref<1x800xf32, #tpu.memory_space<vmem>>
      %scatter3A_189 = tpu.memref_squeeze %scatter3A_188 : memref<1x800xf32, #tpu.memory_space<vmem>> -> memref<800xf32, #tpu.memory_space<vmem>>
      tpu.vector_store_idx %scatter3A_189[%add3A_182], %mul3A_186 : memref<800xf32, #tpu.memory_space<vmem>>[vector<16xi32>], vector<16xf32>,
      %add3A_190 = arith.addi %mul3A_2, %scan3A_86 : i32
      %mul3A_191 = arith.constant 800 : i32
      %mul3A_192 = arith.muli %add3A_190, %mul3A_191 : i32
      %dma_start3A_193 = arith.constant 0 : i32
      %dma_start3A_194 = tpu.memref_slice %arg11[%and3A_87, %dma_start3A_193] : memref<2x800xf32, #tpu.memory_space<vmem>> -> memref<1x800xf32, #tpu.memory_space<vmem>>
      %dma_start3A_195 = tpu.memref_squeeze %dma_start3A_194 : memref<1x800xf32, #tpu.memory_space<vmem>> -> memref<800xf32, #tpu.memory_space<vmem>>
      %dma_start3A_196 = tpu.memref_slice %arg6[%mul3A_192] : memref<3276800xf32, #tpu.memory_space<hbm>> -> memref<800xf32, #tpu.memory_space<hbm>>
      %dma_start3A_197 = tpu.memref_slice %arg6[%mul3A_192] : memref<3276800xf32, #tpu.memory_space<hbm>> -> memref<800xf32, #tpu.memory_space<hbm>>
      %dma_start3A_198 = arith.constant 0 : i32
      %dma_start3A_199 = tpu.memref_slice %arg11[%and3A_87, %dma_start3A_198] : memref<2x800xf32, #tpu.memory_space<vmem>> -> memref<1x800xf32, #tpu.memory_space<vmem>>
      %dma_start3A_200 = tpu.memref_squeeze %dma_start3A_199 : memref<1x800xf32, #tpu.memory_space<vmem>> -> memref<800xf32, #tpu.memory_space<vmem>>
      tpu.enqueue_dma source(%dma_start3A_200 : memref<800xf32, #tpu.memory_space<vmem>>) target(%dma_start3A_197 : memref<800xf32, #tpu.memory_space<hbm>>) target_semaphore(%arg13 : memref<!tpu.dma_semaphore, #tpu.memory_space<semaphore_mem>>)
    }
    %scan3A_60 = arith.constant 128 : i32
    %add3A_61 = arith.constant 126 : i32
    %add3A_62 = arith.addi %mul3A_2, %add3A_61 : i32
    %mul3A_63 = arith.constant 800 : i32
    %mul3A_64 = arith.muli %add3A_62, %mul3A_63 : i32
    %dma_wait3A = arith.constant 0 : i32
    %dma_wait3A_65 = arith.constant 0 : i32
    %dma_wait3A_66 = tpu.memref_slice %arg11[%dma_wait3A, %dma_wait3A_65] : memref<2x800xf32, #tpu.memory_space<vmem>> -> memref<1x800xf32, #tpu.memory_space<vmem>>
    %dma_wait3A_67 = tpu.memref_squeeze %dma_wait3A_66 : memref<1x800xf32, #tpu.memory_space<vmem>> -> memref<800xf32, #tpu.memory_space<vmem>>
    %dma_wait3A_68 = tpu.memref_slice %arg6[%mul3A_64] : memref<3276800xf32, #tpu.memory_space<hbm>> -> memref<800xf32, #tpu.memory_space<hbm>>
    %dma_wait3A_69 = tpu.memref_slice %arg6[%mul3A_64] : memref<3276800xf32, #tpu.memory_space<hbm>> -> memref<800xf32, #tpu.memory_space<hbm>>
    %dma_wait3A_70 = arith.constant 0 : i32
    %dma_wait3A_71 = tpu.memref_slice %arg11[%dma_wait3A, %dma_wait3A_70] : memref<2x800xf32, #tpu.memory_space<vmem>> -> memref<1x800xf32, #tpu.memory_space<vmem>>
    %dma_wait3A_72 = tpu.memref_squeeze %dma_wait3A_71 : memref<1x800xf32, #tpu.memory_space<vmem>> -> memref<800xf32, #tpu.memory_space<vmem>>
    tpu.wait_dma2 semaphore(%arg13 : memref<!tpu.dma_semaphore, #tpu.memory_space<semaphore_mem>>) src(%dma_wait3A_72 : memref<800xf32, #tpu.memory_space<vmem>>) dst(%dma_wait3A_69 : memref<800xf32, #tpu.memory_space<hbm>>)
    %add3A_73 = arith.constant 127 : i32
    %add3A_74 = arith.addi %mul3A_2, %add3A_73 : i32
    %mul3A_75 = arith.constant 800 : i32
    %mul3A_76 = arith.muli %add3A_74, %mul3A_75 : i32
    %dma_wait3A_77 = arith.constant 1 : i32
    %dma_wait3A_78 = arith.constant 0 : i32
    %dma_wait3A_79 = tpu.memref_slice %arg11[%dma_wait3A_77, %dma_wait3A_78] : memref<2x800xf32, #tpu.memory_space<vmem>> -> memref<1x800xf32, #tpu.memory_space<vmem>>
    %dma_wait3A_80 = tpu.memref_squeeze %dma_wait3A_79 : memref<1x800xf32, #tpu.memory_space<vmem>> -> memref<800xf32, #tpu.memory_space<vmem>>
    %dma_wait3A_81 = tpu.memref_slice %arg6[%mul3A_76] : memref<3276800xf32, #tpu.memory_space<hbm>> -> memref<800xf32, #tpu.memory_space<hbm>>
    %dma_wait3A_82 = tpu.memref_slice %arg6[%mul3A_76] : memref<3276800xf32, #tpu.memory_space<hbm>> -> memref<800xf32, #tpu.memory_space<hbm>>
    %dma_wait3A_83 = arith.constant 0 : i32
    %dma_wait3A_84 = tpu.memref_slice %arg11[%dma_wait3A_77, %dma_wait3A_83] : memref<2x800xf32, #tpu.memory_space<vmem>> -> memref<1x800xf32, #tpu.memory_space<vmem>>
    %dma_wait3A_85 = tpu.memref_squeeze %dma_wait3A_84 : memref<1x800xf32, #tpu.memory_space<vmem>> -> memref<800xf32, #tpu.memory_space<vmem>>
    tpu.wait_dma2 semaphore(%arg13 : memref<!tpu.dma_semaphore, #tpu.memory_space<semaphore_mem>>) src(%dma_wait3A_85 : memref<800xf32, #tpu.memory_space<vmem>>) dst(%dma_wait3A_82 : memref<800xf32, #tpu.memory_space<hbm>>)
    return
  }
}

</mosaic_0001>

<sc_bundles>
// kernel: kernel.3.cloned.1.call-start
scs
__scs_entry_jumppad:
0x0: {  	(pc) =	sbr.rel $0x88, $3  }
0x1: {  	(tag) =	ssettag $0x0;
	lr =	simm.s32 $0x1  }
0x2: {  	[smem:$0x3F9D] =	sst lr;
	_ =	strace $0xD0000000  }
0x3: {  	_ = 	snop  }
0x4: {  	_ = 	snop  }
0x5: {  	_ = 	snop  }
0x6: {  	_ = 	snop  }
0x7: {  	_ = 	snop  }
__scs_overlays_trampoline_lowered:
0x8: {  	[smem:$0x3FAC] =	sst s0  }
0x9: {  	[smem:$0x3FAD] =	sst s1  }
0xa: {  	[smem:$0x3FAE] =	sst s2  }
0xb: {  	[smem:$0x3FAF] =	sst s3  }
0xc: {  	[smem:$0x3FB0] =	sst s4  }
0xd: {  	[smem:$0x3FB1] =	sst s5  }
0xe: {  	[smem:$0x3FB2] =	sst s6  }
0xf: {  	[smem:$0x3FB3] =	sst s7  }
0x10: {  	[smem:$0x3FB4] =	sst s8  }
0x11: {  	[smem:$0x3FB5] =	sst s9;
	s0 =	simm.s32 @!p0 $0x0  }
0x12: {  	s1 =	sld [smem:$0x3F9B];
	s0 =	simm.s32 @p0 $0x1  }
0x13: {  	[smem:$0x3FB6] =	sst s0;
	s0 =	simm.s32 @!p1 $0x0  }
0x14: {  	s2 =	sld [smem:$0x3F9A];
	s0 =	simm.s32 @p1 $0x1  }
0x15: {  	[smem:$0x3FB7] =	sst s0;
	s0 =	simm.s32 @!p2 $0x0  }
0x16: {  	s3 =	sld [smem:$0x3FDB];
	s0 =	simm.s32 @p2 $0x1  }
0x17: {  	s4 =	simm.s32 $0x1BF5;
	[smem:$0x3FB9] =	sst s0  }
0x18: {  	s0 =	sld [smem:$0x3F9C];
	_ =	swait.ge [sflag:s4], $0x0  }
0x19: {  	s7 =	sld [smem:$0x3F9D]  }
0x1a: {  	s8 =	sadd.s32 $0xFFFFE003, lr  }
0x1b: {  	s9 =	sadd.s32 $0xFFFFFEF7, lr;
	s5 =	simm.s32 $0xFFFFFFFF;
	p2 =	slt.u32 s8, $0xFFFFF086  }
0x1c: {  	p1 =	slt.u32 s9, $0xF7A;
	s5 =	simm.s32 @!p2 $0x0  }
0x1d: {  	s5 =	simm.s32 @p1 $0x1;
	p0 =	seq.s32 s7, s2  }
0x1e: {  	s7 =	smul.u32 @!p0 $0xF7A, s2;
	p2 =	seq.s32 @!p0 s5, $0x0  }
0x1f: {  	s9 =	smul.u32 $0xF7A, s1;
	s8 =	simm.s32 @!p0 $0x1BF5;
	p2 =	por !p2, p0  }
0x20: {  	[sflag:s8] =	ssyncset.s32 @!p0 $0xFFFFF086;
	s6 =	sadd.s32 @!p0 s3, s7;
	s7 =	simm.s32 @!p0 $0x108  }
0x21: {  	s3 =	sadd.s32 s3, s9;
	s6 =	sadd.s32 @!p0 $0x88, s6;
	s7 =	simm.s32 @p2 $0x1082  }
0x22: {  	[simem:s7], [sflag:s8] =	dma.local @!p0 [hbm:s6], $0xF7A  }
0x23: {  	s9 =	sor.u32 $0xD0000000, s2;
	s6 =	simm.s32 $0x108;
	_ =	swait.ge @!p0 [sflag:s8], $0x0  }
0x24: {  	s3 =	sadd.s32 $0x88, s3;
	s6 =	simm.s32 @!p1 $0x1082;
	[sflag:s4] =	ssyncset.s32 $0xFFFFF086  }
0x25: {  	[simem:s6], [sflag:s4] =	dma.local [hbm:s3], $0xF7A  }
0x26: {  	[smem:$0x3F9D] =	sst s1;
	(tag) =	ssettag s2;
	_ =	strace s9  }
0x27: {  	s1 =	sld [smem:$0x3FAD]  }
0x28: {  	s2 =	sld [smem:$0x3FAE]  }
0x29: {  	s4 =	sld [smem:$0x3FB0]  }
0x2a: {  	p0 =	seq.s32 s5, $0x0;
	s5 =	sld [smem:$0x3FB1]  }
0x2b: {  	s6 =	sld [smem:$0x3FB2]  }
0x2c: {  	s7 =	sld [smem:$0x3FB3]  }
0x2d: {  	s3 =	simm.s32 $0x108;
	s8 =	sld [smem:$0x3FB4]  }
0x2e: {  	s3 =	simm.s32 @!p0 $0x1082;
	s9 =	sld [smem:$0x3FB5]  }
0x2f: {  	lr =	sadd.s32 s0, s3;
	s0 =	sld [smem:$0x3FAC]  }
0x30: {  	s3 =	sld [smem:$0x3FAF]  }
0x31: {  	[smem:$0x3FB8] =	sst s10  }
0x32: {  	s10 =	sld [smem:$0x3FB6];
	_ =	sdelay $0x3  }
0x33: {  	p0 =	seq.s32 s10, $0x1;
	s10 =	sld [smem:$0x3FB8];
	_ =	sdelay $0x3  }
0x34: {  	[smem:$0x3FB8] =	sst s10  }
0x35: {  	s10 =	sld [smem:$0x3FB7];
	_ =	sdelay $0x3  }
0x36: {  	p1 =	seq.s32 s10, $0x1;
	s10 =	sld [smem:$0x3FB8];
	_ =	sdelay $0x3  }
0x37: {  	[smem:$0x3FB8] =	sst s10  }
0x38: {  	s10 =	sld [smem:$0x3FB9]  }
0x39: {  	_ = 	snop;
	(pc) =	sbr.ind lr, $3  }
0x3a: {  	_ = 	snop  }
0x3b: {  	_ = 	snop  }
0x3c: {  	p2 =	seq.s32 s10, $0x1;
	s10 =	sld [smem:$0x3FB8]  }
0x3d: {  	_ =	shalt  }
0x3e: {  	_ =	shalt  }
0x3f: {  	_ =	shalt  }
0x40: {  	_ =	shalt  }
0x41: {  	_ =	shalt  }
0x42: {  	_ =	shalt  }
0x43: {  	_ =	shalt  }
0x44: {  	_ =	shalt  }
0x45: {  	_ =	shalt  }
0x46: {  	_ =	shalt  }
0x47: {  	_ =	shalt  }
0x48: {  	_ =	shalt  }
0x49: {  	_ =	shalt  }
0x4a: {  	_ =	shalt  }
0x4b: {  	_ =	shalt  }
0x4c: {  	_ =	shalt  }
0x4d: {  	_ =	shalt  }
0x4e: {  	_ =	shalt  }
0x4f: {  	_ =	shalt  }
0x50: {  	_ =	shalt  }
0x51: {  	_ =	shalt  }
0x52: {  	_ =	shalt  }
0x53: {  	_ =	shalt  }
0x54: {  	_ =	shalt  }
0x55: {  	_ =	shalt  }
0x56: {  	_ =	shalt  }
0x57: {  	_ =	shalt  }
0x58: {  	_ =	shalt  }
0x59: {  	_ =	shalt  }
0x5a: {  	_ =	shalt  }
0x5b: {  	_ =	shalt  }
0x5c: {  	_ =	shalt  }
0x5d: {  	_ =	shalt  }
0x5e: {  	_ =	shalt  }
0x5f: {  	_ =	shalt  }
0x60: {  	_ =	shalt  }
0x61: {  	_ =	shalt  }
0x62: {  	_ =	shalt  }
0x63: {  	_ =	shalt  }
0x64: {  	_ =	shalt  }
0x65: {  	_ =	shalt  }
0x66: {  	_ =	shalt  }
0x67: {  	_ =	shalt  }
0x68: {  	_ =	shalt  }
0x69: {  	_ =	shalt  }
0x6a: {  	_ =	shalt  }
0x6b: {  	_ =	shalt  }
0x6c: {  	_ =	shalt  }
0x6d: {  	_ =	shalt  }
0x6e: {  	_ =	shalt  }
0x6f: {  	_ =	shalt  }
0x70: {  	_ =	shalt  }
0x71: {  	_ =	shalt  }
0x72: {  	_ =	shalt  }
0x73: {  	_ =	shalt  }
0x74: {  	_ =	shalt  }
0x75: {  	_ =	shalt  }
0x76: {  	_ =	shalt  }
0x77: {  	_ =	shalt  }
0x78: {  	_ =	shalt  }
0x79: {  	_ =	shalt  }
0x7a: {  	_ =	shalt  }
0x7b: {  	_ =	shalt  }
0x7c: {  	_ =	shalt  }
0x7d: {  	_ =	shalt  }
0x7e: {  	_ =	shalt  }
0x7f: {  	_ =	shalt  }
0x80: {  	_ =	shalt  }
0x81: {  	_ =	shalt  }
0x82: {  	_ =	shalt  }
0x83: {  	_ =	shalt  }
0x84: {  	_ =	shalt  }
0x85: {  	_ =	shalt  }
0x86: {  	_ =	shalt  }
0x87: {  	_ =	shalt  }
.Lfunc_end0:
.L_simem_size_0:
called_computation.1_lowered:
.L_overlay_start_0:
0x88: {  	s2 =	sld [smem:$0x3FD9]  }
0x89: {  	s3 =	sld [smem:$0x3FFE];
	_ =	sdelay $0x1  }
0x8a: {  	s1 =	srdreg.scid  }
0x8b: {  	s0 =	sand.u32 $0x1, s1  }
0x8c: {  	s16 =	sshll.u32 s0, $0xA;
	s2 =	sadd.s32 s3, s2  }
0x8d: {  	s2 =	sadd.s32 s2, s16  }
0x8e: {  	[smem:$0x3FC4] =	sst s2  }
0x8f: {  	_ = 	snop  }
0x90: {  	(tm) =	ssettm $0x1  }
0x91: {  	s17 =	sld [smem:$0x3FFB];
	_ =	sdelay $0x3  }
0x92: {  	_ =	strace s17  }
0x93: {  	s2 =	sld [smem:$0x3FFC];
	_ =	sdelay $0x3  }
0x94: {  	_ =	strace s2  }
0x95: {  	s2 =	sld [smem:$0x3FFD];
	_ =	sdelay $0x3  }
0x96: {  	_ =	strace s2  }
0x97: {  	_ =	strace $0x8FFFFFFF  }
0x98: {  	s18 =	sld [smem:$0x3FDB];
	_ =	sdelay $0x1  }
0x99: {  	s19 =	simm.s32 $_scs_section_size  }
0x9a: {  	s4 =	simm.s32 $_size__tile_overlayer_lowered;
	s5 =	simm.s32 $_tile_overlayer_lowered  }
0x9b: {  	s22 =	simm.s32 $0x1BFF;
	s21 =	sshll.u32 s5, $0x1;
	s2 =	sadd.s32 s19, s18  }
0x9c: {  	s6 =	simm.s32 $0x0;
	s20 =	sshll.u32 s4, $0x1;
	s4 =	sadd.s32 s21, s2  }
0x9d: {  	[timem:s6], [sflag:s22] =	dma.local [hbm:s4], s20  }
0x9e: {  	_ =	swait.ge [sflag:s22], s20  }
0x9f: {  	s3 =	ssub.s32 $0x0, s20;
	[sflag:s22] =	ssyncset.done $0x0  }
0xa0: {  	[sflag:s22] =	ssyncadd.s32 s3;
	_ =	sdelay $0x1  }
0xa1: {  	s23 =	simm.s32 $0x1B8B  }
0xa2: {  	_ =	swait.ge [sflag:s23], $0x1  }
0xa3: {  	[sflag:s23] =	ssyncset.done $0x0  }
0xa4: {  	s25 =	simm.s32 $0x1B8E;
	s24 =	sld [smem:$0x3FFE];
	[sflag:s23] =	ssyncadd.s32 $0xFFFFFFFF  }
0xa5: {  	s26 =	simm.s32 $execute0_lowered;
	[smem:$0x3FD2] =	sst s25  }
0xa6: {  	s4 =	sshll.u32 s26, $0x1;
	_ =	strace $0x80000046;
	[dreg:$0x1] =	wrdreg $0xFFFFFFFF  }
0xa7: {  	s28 =	simm.s32 $_size_execute0_lowered;
	s2 =	sadd.s32 s2, s4;
	[dreg:$0x0] =	wrdreg $0x0  }
0xa8: {  	s4 =	sshll.u32 s28, $0x1;
	[dreg:$0x2] =	wrdreg s2  }
0xa9: {  	[dreg:$0x3] =	wrdreg s4  }
0xaa: {  	[dreg:$0x4] =	wrdreg $0xC0  }
0xab: {  	_ =	task [dreg:s6], $0x5FFFF  }
0xac: {  	[dreg:$0x1] =	wrdreg $0xFFFFFFFF  }
0xad: {  	[dreg:$0x0] =	wrdreg $0x60  }
0xae: {  	[dreg:$0x2] =	wrdreg s24  }
0xaf: {  	[dreg:$0x3] =	wrdreg $0x9  }
0xb0: {  	_ =	task.clear_ibuf [dreg:s6], $0x4FFFF;
	_ =	strace $0x90000046  }
0xb1: {  	s29 =	simm.s32 $0x9;
	_ =	strace $0x80000048  }
0xb2: {  	_ =	swait.ge [sflag:s29], $0x1  }
0xb3: {  	[sflag:s29] =	ssyncadd.s32 $0xFFFFFFFF  }
0xb4: {  	_ =	strace $0x90000048  }
0xb5: {  	_ =	sfence  }
0xb6: {  	s30 =	sld [smem:$0x0];
	_ =	sdelay $0x2  }
0xb7: {  	s31 =	sshll.u32 s1, $0xD;
	s1 =	sshrl.u32 s1, $0x2  }
0xb8: {  	s3 =	sand.u32 $0x4000, s31;
	s1 =	sadd.s32 s1, s30  }
0xb9: {  	s0 =	sor.u32 s3, s0;
	s1 =	sshll.u32 s1, $0x11  }
0xba: {  	s0 =	sor.u32 s1, s0  }
0xbb: {  	s0 =	sadd.s32 $0x8F2B, s0  }
0xbc: {  	[sflag:s0] =	ssyncadd.remote.s32 $0x1  }
0xbd: {  	_ =	sfence.sel $0xFFFF  }
0xbe: {  	[dreg:$0x0] =	wrdreg $0xFFFFFFFF;
	(pc) =	sbr.abs _section_cstart, $3  }
0xbf: {  	[dreg:$0x1] =	wrdreg $0xFFFFFFFF  }
0xc0: {  	_ =	task.clear_ibuf [dreg:s6], $0x2FFFF;
	_ =	strace $0x9FFFFFFF  }
0xc1: {  	(tm) =	ssettm $0x7FFFFFFF  }
tec
execute0_lowered:
.L_overlay_start_1:
0x0: {  	(tag) =	ssettag $0x1  }
0x1: {  	s1 =	srdreg.scid  }
0x2: {  	s0 =	stileid.u32;
	s5 =	rddreg [dreg:$0x0];
	s2 =	simm.s32 $0x0  }
0x3: {  	s10 =	simm.s32 $0x3;
	s11 =	simm.s32 $0x6400;
	s12 =	simm.s32 $0x68  }
0x4: {  	s13 =	simm.s32 $0xC800;
	s14 =	simm.s32 $0x60;
	s15 =	simm.s32 $0xD500  }
0x5: {  	s16 =	simm.s32 $0xFA00;
	s17 =	simm.s32 $0x6468;
	s18 =	simm.s32 $0x10700  }
0x6: {  	s19 =	simm.s32 $0x1;
	s20 =	simm.s32 $0x2;
	s21 =	simm.s32 $0x0  }
0x7: {  	s3 =	sand.u32 $0x1, s1;
	s31 =	sshll.u32 s0, $0x1;
	s1 =	rddreg [dreg:$0x1]  }
0x8: {  	[smem:$0x7FF] =	sst s2;
	s6 =	sor.u32 s3, s31;
	s7 =	ssub.s32 $0x2, s3  }
0x9: {  	v0 =	vlaneseq.u32;
	_ =	strace $0x80000047;
	s4 =	smul.u32 $0xC80, s6;
	s9 =	sshrl.u32 s7, $0x1  }
0xa: {  	v1 =	vmul.u32 $0x19, v0;
	s3 =	sadd.s32 $0x34A00, s5;
	s6 =	sshll.u32 s6, $0x7;
	s9 =	ssub.s32 s7, s9  }
0xb: {  	s8 =	sadd.s32 s4, s5;
	s4 =	sadd.s32 $0x96600, s5;
	s5 =	sadd.s32 $0xF8200, s5  }
0xc: {  	v0 =	vadd.s32 $0x18, v1;
	v1 =	vadd.s32 $0x1A8, v1;
	s9 =	smax.u32 s9, $0x1;
	s7 =	sadd.s32 $0x2A00, s8;
	s8 =	sadd.s32 $0x1BA00, s8  }
.LBB2_1:
0xd: {  	[tilespmem:s2], [sflag:$0x3] =	stream.linear.gather [hbm4b:s7+s2], $0x6400, $0x38;
	[tilespmem:$0x13240] =	vst v63  }
0xe: {  	_ =	swait.ge [sflag:s10], $0x6400  }
0xf: {  	[sflag:s10] =	ssyncset.done $0x0  }
0x10: {  	[sflag:s10] =	ssyncadd.s32 $0xFFFF9C00  }
0x11: {  	[tilespmem:s11], [sflag:$0x3] =	stream.linear.gather [hbm4b:s8+s2], $0x6400, $0x38;
	[tilespmem:$0x13240] =	vst v63  }
0x12: {  	_ =	swait.ge [sflag:s10], $0x6400  }
0x13: {  	[sflag:s10] =	ssyncset.done $0x0  }
0x14: {  	[sflag:s10] =	ssyncadd.s32 $0xFFFF9C00  }
0x15: {  	[tilespmem:s13], [sflag:$0x1] =	stream.indirect.gather [hbm4b:s3+s12], $0x20, s2, s12, $0xb8;
	[tilespmem:$0x13240] =	vst v63  }
0x16: {  	_ = 	snop  }
0x17: {  	[tilespmem:s15], [sflag:$0x1] =	stream.indirect.gather [hbm4b:s3+s14], $0x20, s12, s14, $0xb8;
	[tilespmem:$0x13240] =	vst v63  }
0x18: {  	_ = 	snop  }
0x19: {  	[tilespmem:s16], [sflag:$0x1] =	stream.indirect.gather [hbm4b:s4+s12], $0x20, s11, s12, $0xb8;
	[tilespmem:$0x13240] =	vst v63  }
0x1a: {  	p0 =	por $0x0, $0x0;
	s22 =	simm.s32 $0x0  }
0x1b: {  	[tilespmem:s18], [sflag:$0x1] =	stream.indirect.gather [hbm4b:s4+s14], $0x20, s17, s14, $0xb8;
	[tilespmem:$0x13240] =	vst v63  }
.LBB2_2:
0x1c: {  	_ =	swait.ge [sflag:s19], $0xD00  }
0x1d: {  	[sflag:s19] =	ssyncset.done $0x0  }
0x1e: {  	[sflag:s19] =	ssyncadd.s32 $0xFFFFF300  }
0x1f: {  	_ =	swait.ge [sflag:s19], $0xC00  }
0x20: {  	[sflag:s19] =	ssyncset.done $0x0  }
0x21: {  	[sflag:s19] =	ssyncadd.s32 $0xFFFFF400  }
0x22: {  	_ =	swait.ge [sflag:s19], $0xD00  }
0x23: {  	s25 =	sand.u32 $0x1, s22;
	p1 =	seq.s32 s22, $0x7F;
	[sflag:s19] =	ssyncset.done $0x0  }
0x24: {  	s23 =	sxor.u32 @!p1 $0x1, s25;
	s24 =	smul.u32 @!p1 $0xC8, s22;
	[sflag:s19] =	ssyncadd.s32 $0xFFFFF300  }
0x25: {  	s23 =	smul.u32 @!p1 $0x1900, s23;
	_ =	swait.ge [sflag:s19], $0xC00  }
0x26: {  	s29 =	simm.s32 @!p1 $0x68;
	[sflag:s19] =	ssyncset.done $0x0  }
0x27: {  	s26 =	sadd.s32 @!p1 $0xC8, s24;
	s28 =	sadd.s32 @!p1 $0xC800, s23;
	[sflag:s19] =	ssyncadd.s32 $0xFFFFF400  }
0x28: {  	[tilespmem:s28], [sflag:$0x1] =	stream.indirect.gather @!p1 [hbm4b:s3+s29], $0x20, s26, s29, $0xb8;
	[tilespmem:$0x13240] =	vst v63  }
0x29: {  	s30 =	simm.s32 @!p1 $0x60;
	s26 =	sadd.s32 @!p1 $0x130, s24;
	s28 =	sadd.s32 @!p1 $0xD500, s23  }
0x2a: {  	[tilespmem:s28], [sflag:$0x1] =	stream.indirect.gather @!p1 [hbm4b:s3+s30], $0x20, s26, s30, $0xb8;
	[tilespmem:$0x13240] =	vst v63  }
0x2b: {  	s26 =	sadd.s32 @!p1 $0xFA00, s23;
	s28 =	sadd.s32 @!p1 $0x64C8, s24  }
0x2c: {  	[tilespmem:s26], [sflag:$0x1] =	stream.indirect.gather @!p1 [hbm4b:s4+s29], $0x20, s28, s29, $0xb8;
	[tilespmem:$0x13240] =	vst v63  }
0x2d: {  	s23 =	sadd.s32 @!p1 $0x10700, s23;
	s24 =	sadd.s32 @!p1 $0x6530, s24  }
0x2e: {  	[tilespmem:s23], [sflag:$0x1] =	stream.indirect.gather @!p1 [hbm4b:s4+s30], $0x20, s24, s30, $0xb8;
	[tilespmem:$0x13240] =	vst v63  }
0x2f: {  	s23 =	simm.s32 $0x1  }
0x30: {  	p2 =	slt.u32 @!p1 s22, $0x2;
	s23 =	simm.s32 @!p0 $0x0  }
0x31: {  	p1 =	por p1, !p2;
	s23 =	smul.u32 $0x6400, s23  }
0x32: {  	_ =	swait.ge @p1 [sflag:s20], $0x320  }
0x33: {  	[sflag:s20] =	ssyncset.done @p1 $0x0;
	s23 =	sshrl.u32 s23, $0x2  }
0x34: {  	[sflag:s20] =	ssyncadd.s32 @p1 $0xFFFFFCE0;
	s28 =	sadd.s32 $0xC880, s23  }
0x35: {  	v2 =	vld [tilespmem:s28+$0xFFFFFF80]  }
0x36: {  	s23 =	sadd.s32 $0xFA80, s23;
	v3 =	vld [tilespmem:s28+$0xFFFFFF90]  }
0x37: {  	v4 =	vld [tilespmem:s23+$0xFFFFFF80]  }
0x38: {  	v5 =	vld [tilespmem:s23+$0xFFFFFF90]  }
0x39: {  	v6 =	vld [tilespmem:s28+$0xFFFFFFA0]  }
0x3a: {  	v7 =	vld [tilespmem:s28+$0xFFFFFFB0];
	v2 =	vadd.f32 $0.0e+00, v2  }
0x3b: {  	v8 =	vld [tilespmem:s23+$0xFFFFFFA0];
	v3 =	vadd.f32 $0.0e+00, v3  }
0x3c: {  	v2 =	vadd.f32 v4, v2;
	v4 =	vld [tilespmem:s23+$0xFFFFFFB0]  }
0x3d: {  	v3 =	vadd.f32 v5, v3;
	v5 =	vld [tilespmem:s28+$0xFFFFFFC0]  }
0x3e: {  	v49 =	vld [tilespmem:s28+$0xFFFFFFD0];
	v2 =	vadd.f32 v6, v2  }
0x3f: {  	v50 =	vld [tilespmem:s23+$0xFFFFFFC0];
	v3 =	vadd.f32 v7, v3  }
0x40: {  	v51 =	vld [tilespmem:s23+$0xFFFFFFD0];
	v2 =	vadd.f32 v8, v2  }
0x41: {  	v3 =	vadd.f32 v4, v3;
	v4 =	vld [tilespmem:s28+$0xFFFFFFE0]  }
0x42: {  	v2 =	vadd.f32 v5, v2;
	v5 =	vld [tilespmem:s28+$0xFFFFFFF0]  }
0x43: {  	v52 =	vld [tilespmem:s23+$0xFFFFFFE0];
	v3 =	vadd.f32 v49, v3  }
0x44: {  	v53 =	vld [tilespmem:s23+$0xFFFFFFF0];
	v2 =	vadd.f32 v50, v2  }
0x45: {  	v54 =	vld [tilespmem:s28+$0x0];
	v3 =	vadd.f32 v51, v3  }
0x46: {  	v2 =	vadd.f32 v4, v2;
	v4 =	vld [tilespmem:s28+$0x10]  }
0x47: {  	v3 =	vadd.f32 v5, v3;
	v5 =	vld [tilespmem:s23+$0x0]  }
0x48: {  	v55 =	vld [tilespmem:s23+$0x10];
	v2 =	vadd.f32 v52, v2  }
0x49: {  	v56 =	vld [tilespmem:s28+$0x20];
	v3 =	vadd.f32 v53, v3  }
0x4a: {  	v57 =	vld [tilespmem:s28+$0x30];
	v2 =	vadd.f32 v54, v2  }
0x4b: {  	v3 =	vadd.f32 v4, v3;
	v4 =	vld [tilespmem:s23+$0x20]  }
0x4c: {  	v2 =	vadd.f32 v5, v2;
	v5 =	vld [tilespmem:s23+$0x30]  }
0x4d: {  	v58 =	vld [tilespmem:s28+$0x40];
	v3 =	vadd.f32 v55, v3  }
0x4e: {  	v59 =	vld [tilespmem:s28+$0x50];
	v2 =	vadd.f32 v56, v2  }
0x4f: {  	v60 =	vld [tilespmem:s23+$0x40];
	v3 =	vadd.f32 v57, v3  }
0x50: {  	v2 =	vadd.f32 v4, v2;
	v4 =	vld [tilespmem:s23+$0x50]  }
0x51: {  	v3 =	vadd.f32 v5, v3;
	v5 =	vld [tilespmem:s28+$0x60]  }
0x52: {  	v61 =	vld [tilespmem:s28+$0x70];
	v2 =	vadd.f32 v58, v2  }
0x53: {  	v62 =	vld [tilespmem:s23+$0x60];
	v3 =	vadd.f32 v59, v3  }
0x54: {  	v63 =	vld [tilespmem:s23+$0x70];
	v2 =	vadd.f32 v60, v2  }
0x55: {  	p1 =	por $0x1, $0x1;
	v3 =	vadd.f32 v4, v3  }
0x56: {  	v4 =	vlaneseq.u32 @!p1;
	v2 =	vadd.f32 v5, v2  }
0x57: {  	v4 =	vmul.u32 @!p1 $0x19, v4;
	v3 =	vadd.f32 v61, v3  }
0x58: {  	s24 =	simm.s32 $0xFFFFFFFF;
	v5 =	vimm.f32 $0.0e+00;
	v2 =	vadd.f32 v62, v2  }
0x59: {  	v6 =	vadd.s32 @!p1 s24, v4;
	v4 =	vadd.s32 @!p1 $0x190, v4;
	v3 =	vadd.f32 v63, v3  }
0x5a: {  	s30 =	smul.u32 $0xC80, s25;
	v4 =	vadd.s32 @!p1 s24, v4;
	v7 =	vadd.f32 @!p1 v2, v5  }
0x5b: {  	v5 =	vadd.f32 @!p1 v3, v5  }
0x5c: {  	s31 =	sshrl.u32 s30, $0x2;
	v7 =	vmul.f32 @!p1 $6.250000000e-02, v7  }
0x5d: {  	s24 =	sor.u32 $0x12C00, s31;
	v5 =	vmul.f32 @!p1 $6.250000000e-02, v5  }
0x5e: {  	[tilespmem:v6+s24+$0x0] =	vst.idx.msk @!p1 $0xffff, v7  }
0x5f: {  	s26 =	simm.s32 $0x0;
	s25 =	smul.u32 $0x1900, s25;
	s28 =	sadd.s32 $0x100, s28;
	[tilespmem:v4+s24+$0x0] =	vst.idx.msk @!p1 $0xffff, v5  }
.LBB2_3:
0x60: {  	v4 =	vld [tilespmem:s28+$0xFFFFFF80];
	v5 =	vmov v2;
	v6 =	vmov v3;
	s29 =	smov.u32 s26  }
0x61: {  	s26 =	sadd.s32 $0x1, s26;
	s23 =	sadd.s32 $0x100, s23;
	v2 =	vld [tilespmem:s28+$0xFFFFFF90]  }
0x62: {  	p1 =	sne.s32 s26, $0x18;
	v3 =	vld [tilespmem:s23+$0xFFFFFF80]  }
0x63: {  	v7 =	vld [tilespmem:s23+$0xFFFFFF90]  }
0x64: {  	v8 =	vld [tilespmem:s28+$0xFFFFFFA0]  }
0x65: {  	v4 =	vadd.f32 $0.0e+00, v4;
	v9 =	vld [tilespmem:s28+$0xFFFFFFB0]  }
0x66: {  	v2 =	vadd.f32 $0.0e+00, v2;
	v10 =	vld [tilespmem:s23+$0xFFFFFFA0]  }
0x67: {  	v3 =	vadd.f32 v3, v4;
	v4 =	vld [tilespmem:s23+$0xFFFFFFB0]  }
0x68: {  	v2 =	vadd.f32 v7, v2;
	v7 =	vld [tilespmem:s28+$0xFFFFFFC0]  }
0x69: {  	v3 =	vadd.f32 v8, v3;
	v8 =	vld [tilespmem:s28+$0xFFFFFFD0]  }
0x6a: {  	v2 =	vadd.f32 v9, v2;
	v9 =	vld [tilespmem:s23+$0xFFFFFFC0]  }
0x6b: {  	v3 =	vadd.f32 v10, v3;
	v10 =	vld [tilespmem:s23+$0xFFFFFFD0]  }
0x6c: {  	v2 =	vadd.f32 v4, v2;
	v4 =	vld [tilespmem:s28+$0xFFFFFFE0]  }
0x6d: {  	v3 =	vadd.f32 v7, v3;
	v7 =	vld [tilespmem:s28+$0xFFFFFFF0]  }
0x6e: {  	v2 =	vadd.f32 v8, v2;
	v8 =	vld [tilespmem:s23+$0xFFFFFFE0]  }
0x6f: {  	v3 =	vadd.f32 v9, v3;
	v9 =	vld [tilespmem:s23+$0xFFFFFFF0]  }
0x70: {  	v2 =	vadd.f32 v10, v2;
	v10 =	vld [tilespmem:s28+$0x0]  }
0x71: {  	v3 =	vadd.f32 v4, v3;
	v4 =	vld [tilespmem:s28+$0x10]  }
0x72: {  	v2 =	vadd.f32 v7, v2;
	v7 =	vld [tilespmem:s23+$0x0]  }
0x73: {  	v3 =	vadd.f32 v8, v3;
	v8 =	vld [tilespmem:s23+$0x10]  }
0x74: {  	v2 =	vadd.f32 v9, v2;
	v9 =	vld [tilespmem:s28+$0x20]  }
0x75: {  	v3 =	vadd.f32 v10, v3;
	v10 =	vld [tilespmem:s28+$0x30]  }
0x76: {  	v2 =	vadd.f32 v4, v2;
	v4 =	vld [tilespmem:s23+$0x20]  }
0x77: {  	v3 =	vadd.f32 v7, v3;
	v7 =	vld [tilespmem:s23+$0x30]  }
0x78: {  	v2 =	vadd.f32 v8, v2;
	v8 =	vld [tilespmem:s28+$0x40]  }
0x79: {  	v3 =	vadd.f32 v9, v3;
	v9 =	vld [tilespmem:s28+$0x50]  }
0x7a: {  	v2 =	vadd.f32 v10, v2;
	v10 =	vld [tilespmem:s23+$0x40]  }
0x7b: {  	v3 =	vadd.f32 v4, v3;
	v4 =	vld [tilespmem:s23+$0x50]  }
0x7c: {  	v2 =	vadd.f32 v7, v2;
	v7 =	vld [tilespmem:s28+$0x60]  }
0x7d: {  	v3 =	vadd.f32 v8, v3;
	v8 =	vld [tilespmem:s28+$0x70]  }
0x7e: {  	v2 =	vadd.f32 v9, v2;
	v9 =	vld [tilespmem:s23+$0x60]  }
0x7f: {  	v3 =	vadd.f32 v10, v3;
	v10 =	vld [tilespmem:s23+$0x70]  }
0x80: {  	p2 =	seq.s32 s29, $0xFFFFFFFF;
	v2 =	vadd.f32 v4, v2  }
0x81: {  	v4 =	vlaneseq.u32 @!p2;
	v3 =	vadd.f32 v7, v3  }
0x82: {  	v4 =	vmul.u32 @!p2 $0x19, v4;
	v7 =	vadd.f32 v8, v2  }
0x83: {  	v2 =	vadd.f32 v9, v3  }
0x84: {  	v3 =	vadd.f32 v10, v7;
	v7 =	vadd.s32 @!p2 s29, v4;
	v4 =	vadd.s32 @!p2 $0x190, v4  }
0x85: {  	v5 =	vadd.f32 @!p2 v2, v5;
	v4 =	vadd.s32 @!p2 s29, v4  }
.Ltmp0:
0x86: {  	v6 =	vadd.f32 @!p2 v3, v6;
	(pc) =	sbr.rel @p1 .LBB2_3-.Ltmp0, $4  }
0x87: {  	v5 =	vmul.f32 @!p2 $6.250000000e-02, v5  }
0x88: {  	v6 =	vmul.f32 @!p2 $6.250000000e-02, v6  }
0x89: {  	[tilespmem:v7+s24+$0x0] =	vst.idx.msk @!p2 $0xffff, v5  }
0x8a: {  	s28 =	sadd.s32 $0x100, s28;
	[tilespmem:v4+s24+$0x0] =	vst.idx.msk @!p2 $0xffff, v6  }
0x8b: {  	v4 =	vld [tilespmem:s25+$0xE0E0]  }
0x8c: {  	v5 =	vld [tilespmem:s25+$0x112E0]  }
0x8d: {  	v6 =	vld [tilespmem:s25+$0xE0F0]  }
0x8e: {  	v7 =	vld [tilespmem:s25+$0x112F0];
	_ =	sdelay $0x3  }
0x8f: {  	v4 =	vadd.f32 v5, v4  }
0x90: {  	v63 =	vadd.f32 v7, v6  }
0x91: {  	v4 =	vmul.f32 $8.000000000e+00, v4  }
0x92: {  	v5 =	vmul.f32 $8.000000000e+00, v63  }
0x93: {  	s23 =	sadd.s32 s6, s22;
	s22 =	sadd.s32 $0x1, s22;
	v2 =	vadd.f32 v4, v2  }
0x94: {  	p1 =	sne.s32 s22, $0x80;
	v3 =	vadd.f32 v5, v3  }
.Ltmp1:
0x95: {  	v2 =	vmul.f32 $6.250000000e-02, v2;
	(pc) =	sbr.rel @p1 .LBB2_2-.Ltmp1, $4  }
0x96: {  	s23 =	smul.u32 $0x64, s23;
	v3 =	vmul.f32 $6.250000000e-02, v3  }
0x97: {  	[tilespmem:v0+s24+$0x0] =	vst.idx.msk $0xffff, v2  }
0x98: {  	p0 =	por !p0, !p0;
	s23 =	sadd.s32 s5, s23;
	[tilespmem:v1+s24+$0x0] =	vst.idx.msk $0xffff, v3  }
0x99: {  	[hbm4b:s23+s2] =	stream.linear.scatter [tilespmem:s24], [sflag:$0x2], $0x320, $0x38;
	[tilespmem:$0x13240] =	vst v63  }
0x9a: {  	s21 =	sadd.s32 $0x1, s21  }
0x9b: {  	_ =	swait.ge [sflag:s20], $0x320;
	p0 =	sne.s32 s21, s9  }
.Ltmp2:
0x9c: {  	[sflag:s20] =	ssyncset.done $0x0;
	(pc) =	sbr.rel @p0 .LBB2_1-.Ltmp2, $4  }
0x9d: {  	[sflag:s20] =	ssyncadd.s32 $0xFFFFFCE0  }
0x9e: {  	_ =	swait.ge [sflag:s20], $0x320  }
0x9f: {  	[sflag:s20] =	ssyncset.done $0x0  }
0xa0: {  	[sflag:s20] =	ssyncadd.s32 $0xFFFFFCE0  }
0xa1: {  	_ =	sfence.sel $0x180000  }
0xa2: {  	[bflag:$0x0] =	sbarrier.arrive $0xFFFF  }
0xa3: {  	p0 =	sne.s32 s0, $0x0;
	_ =	strace $0x90000047  }
0xa4: {  	s0 =	sadd.s32 @!p0 $0x100000, s1;
	[bflag:$0x2] =	sbarrier.arrive $0xFFFF  }
0xa5: {  	[sflag:s0] =	ssyncadd.tile.s32 @!p0 $0x1;
	_ =	shalt  }
.Lfunc_end2:
_tile_overlayer_lowered:
.L_overlay_start_2:
0xa6: {  	(tag) =	ssettag $0x2  }
0xa7: {  	s0 =	rddreg [dreg:$0x0];
	s2 =	stileid.u32  }
0xa8: {  	s1 =	rddreg [dreg:$0x1];
	p0 =	sne.s32 s2, $0x0  }
0xa9: {  	s3 =	rddreg [dreg:$0x2];
	[bflag:$0x3] =	sbarrier.arrive $0xFFFF;
	s2 =	simm.s32 @!p0 $0x1C03  }
0xaa: {  	[timem:s3], [sflag:s2] =	dma.local @!p0 [hbm:s0], s1  }
0xab: {  	s0 =	simm.s32 @!p0 $0x3  }
0xac: {  	_ =	swait.ge @!p0 [sflag:s0], s1  }
0xad: {  	s1 =	ssub.s32 @!p0 $0x0, s1;
	[sflag:s0] =	ssyncset.done @!p0 $0x0  }
0xae: {  	[sflag:s0] =	ssyncadd.s32 @!p0 s1  }
0xaf: {  	[bflag:$0x3] =	sbarrier.arrive $0xFFFF  }
0xb0: {  	_ =	shalt  }

// kernel: sparse-core-data-format-call.cloned.1.call-start
scs
called_computation_lowered:
.L_overlay_start_0:
0x0: {  	s2 =	sld [smem:$0x3FD9]  }
0x1: {  	s3 =	sld [smem:$0x3FFE];
	_ =	sdelay $0x1  }
0x2: {  	s1 =	srdreg.scid  }
0x3: {  	s0 =	sand.u32 $0x1, s1  }
0x4: {  	s18 =	sshll.u32 s0, $0xA;
	s2 =	sadd.s32 s3, s2  }
0x5: {  	s2 =	sadd.s32 s2, s18  }
0x6: {  	[smem:$0x3FC4] =	sst s2  }
0x7: {  	_ = 	snop  }
0x8: {  	s2 =	sld [smem:$0x3FD0];
	(tm) =	ssettm $0x1  }
0x9: {  	s19 =	sld [smem:$0x3FFB];
	_ =	sdelay $0x3  }
0xa: {  	_ =	strace s19  }
0xb: {  	s3 =	sld [smem:$0x3FFC];
	_ =	sdelay $0x3  }
0xc: {  	_ =	strace s3  }
0xd: {  	s3 =	sld [smem:$0x3FFD];
	_ =	sdelay $0x3  }
0xe: {  	_ =	strace s3  }
0xf: {  	_ =	strace $0x8FFFFFFF  }
0x10: {  	s20 =	sld [smem:$0x3FDB];
	_ =	sdelay $0x1  }
0x11: {  	s4 =	simm.s32 $_scs_section_size  }
0x12: {  	s5 =	simm.s32 $_size__tile_overlayer_lowered;
	s6 =	simm.s32 $_tile_overlayer_lowered  }
0x13: {  	s23 =	simm.s32 $0x1BFF;
	s22 =	sshll.u32 s6, $0x1;
	s3 =	sadd.s32 s4, s20  }
0x14: {  	s7 =	simm.s32 $0x0;
	s21 =	sshll.u32 s5, $0x1;
	s5 =	sadd.s32 s22, s3  }
0x15: {  	[timem:s7], [sflag:s23] =	dma.local [hbm:s5], s21  }
0x16: {  	_ =	swait.ge [sflag:s23], s21  }
0x17: {  	s4 =	ssub.s32 $0x0, s21;
	[sflag:s23] =	ssyncset.done $0x0  }
0x18: {  	[sflag:s23] =	ssyncadd.s32 s4;
	_ =	sdelay $0x1  }
0x19: {  	s24 =	simm.s32 $0x1B8B  }
0x1a: {  	_ =	swait.ge [sflag:s24], $0x1  }
0x1b: {  	[sflag:s24] =	ssyncset.done $0x0  }
0x1c: {  	s26 =	simm.s32 $0x1B8E;
	s25 =	sld [smem:$0x3FFE];
	[sflag:s24] =	ssyncadd.s32 $0xFFFFFFFF  }
0x1d: {  	s27 =	simm.s32 $execute0_lowered;
	[smem:$0x3FD2] =	sst s26  }
0x1e: {  	s5 =	sshll.u32 s27, $0x1;
	_ =	strace $0x80000049;
	[dreg:$0x1] =	wrdreg $0xFFFFFFFF  }
0x1f: {  	s28 =	simm.s32 $_size_execute0_lowered;
	s3 =	sadd.s32 s3, s5;
	[dreg:$0x0] =	wrdreg $0x0  }
0x20: {  	s5 =	sshll.u32 s28, $0x1;
	[dreg:$0x2] =	wrdreg s3  }
0x21: {  	[dreg:$0x3] =	wrdreg s5  }
0x22: {  	[dreg:$0x4] =	wrdreg $0xC0  }
0x23: {  	_ =	task [dreg:s7], $0x5FFFF  }
0x24: {  	[dreg:$0x1] =	wrdreg $0xFFFFFFFF  }
0x25: {  	[dreg:$0x0] =	wrdreg $0x60  }
0x26: {  	[dreg:$0x2] =	wrdreg s25  }
0x27: {  	[dreg:$0x3] =	wrdreg s2  }
0x28: {  	[dreg:$0x4] =	wrdreg $0x9  }
0x29: {  	_ =	task.clear_ibuf [dreg:s7], $0x5FFFF;
	_ =	strace $0x90000049  }
0x2a: {  	s29 =	simm.s32 $0x9;
	_ =	strace $0x8000004B  }
0x2b: {  	_ =	swait.ge [sflag:s29], $0x1  }
0x2c: {  	[sflag:s29] =	ssyncadd.s32 $0xFFFFFFFF  }
0x2d: {  	_ =	strace $0x9000004B  }
0x2e: {  	_ =	sfence  }
0x2f: {  	s30 =	sld [smem:$0x0];
	_ =	sdelay $0x2  }
0x30: {  	s31 =	sshll.u32 s1, $0xD;
	s1 =	sshrl.u32 s1, $0x2  }
0x31: {  	s3 =	sand.u32 $0x4000, s31;
	s1 =	sadd.s32 s1, s30  }
0x32: {  	s0 =	sor.u32 s3, s0;
	s1 =	sshll.u32 s1, $0x11  }
0x33: {  	s0 =	sor.u32 s1, s0  }
0x34: {  	s0 =	sadd.s32 $0x8F2B, s0  }
0x35: {  	[sflag:s0] =	ssyncadd.remote.s32 $0x1  }
0x36: {  	_ =	sfence.sel $0xFFFF  }
0x37: {  	[dreg:$0x0] =	wrdreg $0xFFFFFFFF;
	(pc) =	sbr.abs _section_cstart, $3  }
0x38: {  	[dreg:$0x1] =	wrdreg $0xFFFFFFFF  }
0x39: {  	_ =	task.clear_ibuf [dreg:s7], $0x2FFFF;
	_ =	strace $0x9FFFFFFF  }
0x3a: {  	(tm) =	ssettm $0x7FFFFFFF  }
0x3b: {  	_ =	shalt  }
tec
execute0_lowered:
.L_overlay_start_1:
0x0: {  	(tag) =	ssettag $0x1  }
0x1: {  	s0 =	srdreg.scid  }
0x2: {  	s1 =	sshll.u32 s0, $0x4  }
0x3: {  	s0 =	stileid.u32;
	s1 =	sand.u32 $0x10, s1  }
0x4: {  	s1 =	sor.u32 s0, s1  }
0x5: {  	s6 =	rddreg [dreg:$0x0];
	s4 =	simm.s32 $0x1;
	s2 =	sshll.u32 s1, $0x7  }
0x6: {  	s7 =	simm.s32 $0x2;
	s12 =	simm.s32 $0x0;
	s1 =	ssub.s32 $0x8000, s2  }
0x7: {  	s8 =	simm.s32 $0x40000;
	s13 =	simm.s32 $0x0;
	s3 =	sand.u32 $0xF80, s1  }
0x8: {  	s10 =	simm.s32 $0x0;
	s5 =	sshrl.u32 s1, $0xC;
	p0 =	sne.s32 s3, $0x0  }
.Ltmp0:
0x9: {  	s1 =	rddreg [dreg:$0x2];
	s4 =	simm.s32 @!p0 $0x0;
	(pc) =	sbr.rel .LBB1_1-.Ltmp0, $4  }
0xa: {  	s11 =	simm.s32 $0x0;
	s3 =	rddreg [dreg:$0x1];
	s5 =	sadd.s32 s4, s5  }
0xb: {  	_ =	strace $0x8000004A;
	s4 =	simm.s32 $0x1;
	s5 =	smul.u32 $0x19, s5  }
0xc: {  	s6 =	sadd.s32 $0x192A00, s6;
	s9 =	smov.u32 s2;
	[sflag:s4] =	ssyncpa.u1 $0x0  }
0xd: {  	p0 =	por $0x0, $0x0;
	[sflag:s7] =	ssyncpa.u1 $0x0;
	s7 =	sadd.s32 $0x1, s5  }
.LBB1_4:
0xe: {  	s16 =	sshll.u32 s12, $0x3;
	s17 =	sand.u32 $0x78, s12  }
0xf: {  	s13 =	sshll.u32 s13, $0x11;
	s30 =	sand.u32 $0x1F000, s12;
	s16 =	sand.u32 $0x7C00, s16  }
0x10: {  	s31 =	sand.u32 $0x7, s12;
	s13 =	sadd.s32 s3, s13;
	s16 =	sor.u32 s17, s16  }
0x11: {  	s12 =	sshll.u32 s31, $0x12;
	s13 =	sadd.s32 s30, s13;
	s16 =	sshrl.u32 s16, $0x3  }
0x12: {  	[tilespmem:s15+$0x0 ss:$0x81] =	vst.msk $0xffff, v0;
	s12 =	sor.u32 $0x400, s12;
	s13 =	sadd.s32 s16, s13  }
0x13: {  	[hbm4b:s13+s12] =	stream.strided.scatter [tilespmem:s14], [sflag:$0x2], $0x1000, s8, s12, $0x20;
	[tilespmem:$0x4040] =	vst v63  }
.LBB1_5:
0x14: {  	s14 =	sadd.s32 $0x1000, s9  }
0x15: {  	s12 =	simm.s32 $0x1;
	p2 =	sgt.s32 s14, $0x7FFF  }
0x16: {  	s12 =	simm.s32 @!p2 $0x0  }
0x17: {  	s16 =	sadd.s32 s12, s10  }
0x18: {  	s14 =	smov.u32 @p2 s2;
	p2 =	sgt.s32 s16, $0x18  }
0x19: {  	s16 =	simm.s32 @p2 $0x0;
	p2 =	sne.s32 s11, s7  }
.Ltmp1:
0x1a: {  	p1 =	slt.u32 s11, $0x2;
	(pc) =	sbr.rel @!p2 .LBB1_6-.Ltmp1, $4  }
0x1b: {  	s15 =	simm.s32 @!p1 $0x2  }
0x1c: {  	s13 =	smov.u32 s10;
	p0 =	por !p0, !p0;
	_ =	swait.ge @!p1 [sflag:s15], $0x1000  }
0x1d: {  	[sflag:s15] =	ssyncset.done @!p1 $0x0;
	s12 =	smov.u32 s9;
	s9 =	smov.u32 s14  }
0x1e: {  	[sflag:s15] =	ssyncadd.s32 @!p1 $0xFFFFF000;
	s11 =	sadd.s32 $0x1, s11;
	s10 =	smov.u32 s16  }
.LBB1_1:
0x1f: {  	p1 =	sge.u32 s11, s5  }
0x20: {  	s31 =	sadd.s32 $0xFFFFFFFF, s11;
	s14 =	sxor.u32 @!p1 $0xFFFFFFFF, s11  }
0x21: {  	s15 =	sshll.u32 @!p1 s10, $0x13;
	s16 =	sshll.u32 @!p1 s9, $0x4;
	s17 =	simm.s32 @!p1 $0x80  }
0x22: {  	s14 =	sshll.u32 @!p1 s14, $0xC;
	s16 =	sand.u32 @!p1 $0x7FFF0, s16;
	s15 =	sadd.s32 @!p1 s6, s15  }
0x23: {  	s14 =	sand.u32 @!p1 $0x1000, s14;
	s15 =	sadd.s32 @!p1 s16, s15;
	s16 =	simm.s32 @!p1 $0x20  }
0x24: {  	[tilespmem:s14], [sflag:$0x1] =	stream.strided.gather @!p1 [hbm4b:s15+s16], $0x1000, s17, s16, $0x38;
	[tilespmem:$0x4040] =	vst v63  }
0x25: {  	p1 =	sge.u32 s31, s5  }
.Ltmp2:
0x26: {  	_ = 	snop;
	(pc) =	sbr.rel @p1 .LBB1_5-.Ltmp2, $1  }
0x27: {  	_ =	sdelay $0x3  }
0x28: {  	s14 =	simm.s32 $0x1  }
0x29: {  	_ =	swait.ge [sflag:s4], $0x1000;
	s14 =	simm.s32 @!p0 $0x0  }
0x2a: {  	[sflag:s4] =	ssyncset.done $0x0;
	s15 =	sshll.u32 s14, $0xC  }
0x2b: {  	[sflag:s4] =	ssyncadd.s32 $0xFFFFF000;
	s18 =	sor.u32 $0x10, s15  }
0x2c: {  	s14 =	smul.u32 $0x4080, s14;
	v1 =	vld [tilespmem:s18+$0x0]  }
0x2d: {  	s30 =	sand.u32 $0x1, s11;
	v0 =	vld [tilespmem:s18+$0xFFFFFFF0]  }
0x2e: {  	s15 =	smul.u32 $0x4080, s30;
	s14 =	sshrl.u32 s14, $0x2  }
0x2f: {  	s16 =	sor.u32 $0x2000, s14  }
0x30: {  	s31 =	sshrl.u32 s15, $0x2;
	s15 =	sadd.s32 $0x0, s16  }
0x31: {  	s17 =	simm.s32 $0x4;
	s18 =	sadd.s32 $0x20, s18;
	s14 =	sor.u32 $0x2000, s31;
	[tilespmem:s15+$0x810 ss:$0x81] =	vst.msk $0xffff, v1  }
.LBB1_3:
0x32: {  	v1 =	vld [tilespmem:s18+$0x0];
	p1 =	sne.s32 s17, $0x1FC;
	[tilespmem:s15+$0x0 ss:$0x81] =	vst.msk $0xffff, v0;
	s15 =	smov.u32 s17;
	s17 =	sadd.s32 $0x4, s17  }
.Ltmp3:
0x33: {  	v0 =	vld [tilespmem:s18+$0xFFFFFFF0];
	(pc) =	sbr.rel @p1 .LBB1_3-.Ltmp3, $4  }
0x34: {  	_ = 	snop  }
0x35: {  	s15 =	sshra.s32 s15, $0x2  }
0x36: {  	s15 =	sadd.s32 s15, s16  }
0x37: {  	s18 =	sadd.s32 $0x20, s18;
	[tilespmem:s15+$0x810 ss:$0x81] =	vst.msk $0xffff, v1  }
.Ltmp4:
0x38: {  	_ = 	snop;
	(pc) =	sbr.rel .LBB1_4-.Ltmp4, $1  }
0x39: {  	_ =	sdelay $0x3  }
.LBB1_6:
0x3a: {  	_ =	sfence.sel $0x180000  }
0x3b: {  	s2 =	simm.s32 $0x1;
	[bflag:$0x0] =	sbarrier.arrive $0xFFFF  }
0x3c: {  	s31 =	simm.s32 $0x2;
	[sflag:s2] =	ssyncpa.u1 $0x1  }
0x3d: {  	[sflag:s31] =	ssyncpa.u1 $0x1  }
0x3e: {  	p0 =	sne.s32 s0, $0x0;
	_ =	strace $0x9000004A  }
0x3f: {  	s0 =	sadd.s32 @!p0 $0x100000, s1;
	[bflag:$0x2] =	sbarrier.arrive $0xFFFF  }
0x40: {  	[sflag:s0] =	ssyncadd.tile.s32 @!p0 $0x1;
	_ =	shalt  }
.Lfunc_end1:
_tile_overlayer_lowered:
.L_overlay_start_2:
0x41: {  	(tag) =	ssettag $0x2  }
0x42: {  	s0 =	rddreg [dreg:$0x0];
	s2 =	stileid.u32  }
0x43: {  	s1 =	rddreg [dreg:$0x1];
	p0 =	sne.s32 s2, $0x0  }
0x44: {  	s3 =	rddreg [dreg:$0x2];
	[bflag:$0x3] =	sbarrier.arrive $0xFFFF;
	s2 =	simm.s32 @!p0 $0x1C01  }
0x45: {  	[timem:s3], [sflag:s2] =	dma.local @!p0 [hbm:s0], s1  }
0x46: {  	s0 =	simm.s32 @!p0 $0x1  }
0x47: {  	_ =	swait.ge @!p0 [sflag:s0], s1  }
0x48: {  	s1 =	ssub.s32 @!p0 $0x0, s1;
	[sflag:s0] =	ssyncset.done @!p0 $0x0  }
0x49: {  	[sflag:s0] =	ssyncadd.s32 @!p0 s1  }
0x4a: {  	[bflag:$0x3] =	sbarrier.arrive $0xFFFF  }
0x4b: {  	_ =	shalt  }

</sc_bundles>
